<compile_context>
chip_gen: v7x
topology: tpu7x:2x2x1
jax: 0.10.2.dev20260603
libtpu: 0.0.44.dev20260713+nightly
codegen_flags: <defaults>
</compile_context>

<pallas_src>
import functools

import jax
import jax.numpy as jnp
import numpy as np
from jax import lax
from jax.experimental import pallas as pl
from jax.experimental.pallas import tpu as pltpu
from jax.experimental.pallas import tpu_sc as plsc

N = 10000
E = 320000
D = 128

NC = 2
NS = 16
NW = NC * NS
EW = E // NW
K = 40
NCHUNK = EW // K
NPAIR = NCHUNK // 2
STRIPE = 624
STRIPE_LAST = N - (NS - 1) * STRIPE


def _worker(c, s):
    return s * NC + c




def _sc_edge_body(e_hbm, i0_hbm, i1_hbm, vh_hbm, bh_hbm, ch_hbm, zeros_hbm,
                  g_hbm, agg_hbm,
                  idx0a, idx1a, idx0b, idx1b,
                  e_a, vh_a, bh_a, ch_a, e_b, vh_b, bh_b, ch_b,
                  agg_sh, sem_a, sem_b, sem_ia, sem_ib, sem_ga, sem_gb):
    c = lax.axis_index("c")
    s = lax.axis_index("s")
    wid = _worker(c, s)
    base0 = wid * EW

    @pl.when(s < NS - 1)
    def _():
        pltpu.sync_copy(zeros_hbm.at[pl.ds(s * STRIPE, STRIPE)],
                        agg_sh.at[pl.ds(s * STRIPE, STRIPE)])

    @pl.when(s == NS - 1)
    def _():
        pltpu.sync_copy(zeros_hbm.at[pl.ds((NS - 1) * STRIPE, STRIPE_LAST)],
                        agg_sh.at[pl.ds((NS - 1) * STRIPE, STRIPE_LAST)])

    plsc.subcore_barrier()

    def fire_idx(ci, i0_v, i1_v, sem):
        base = base0 + ci * K
        pltpu.async_copy(i0_hbm.at[pl.ds(base, K)], i0_v, sem)
        pltpu.async_copy(i1_hbm.at[pl.ds(base, K)], i1_v, sem)

    def wait_idx(i0_v, i1_v, sem):
        pltpu.make_async_copy(i0_hbm.at[pl.ds(0, K)], i0_v, sem).wait()
        pltpu.make_async_copy(i1_hbm.at[pl.ds(0, K)], i1_v, sem).wait()

    def fire4(ci, i0_v, i1_v, e_v, vh_v, bh_v, ch_v, sem):
        pltpu.async_copy(vh_hbm.at[i1_v], vh_v, sem)
        pltpu.async_copy(bh_hbm.at[i0_v], bh_v, sem)
        pltpu.async_copy(ch_hbm.at[i1_v], ch_v, sem)
        pltpu.async_copy(e_hbm.at[pl.ds(base0 + ci * K, K)], e_v, sem)

    def wait4(i0_v, i1_v, e_v, vh_v, bh_v, ch_v, sem):
        pltpu.make_async_copy(vh_hbm.at[i1_v], vh_v, sem).wait()
        pltpu.make_async_copy(bh_hbm.at[i0_v], bh_v, sem).wait()
        pltpu.make_async_copy(ch_hbm.at[i1_v], ch_v, sem).wait()
        pltpu.make_async_copy(e_hbm.at[pl.ds(0, K)], e_v, sem).wait()

    def compute(e_v, vh_v, bh_v, ch_v):
        def row_body(r, rc):
            for cc in range(D // 16):
                sl = pl.ds(cc * 16, 16)
                x = e_v[r, sl]
                e_v[r, sl] = vh_v[r, sl] / (1.0 + jnp.exp(-x))
                vh_v[r, sl] = bh_v[r, sl] + ch_v[r, sl]
            return rc

        lax.fori_loop(0, K, row_body, 0)

    def fire_g(ci, g_v, sem):
        pltpu.async_copy(g_v, g_hbm.at[pl.ds(base0 + ci * K, K)], sem)

    def wait_g(g_v, sem):
        pltpu.make_async_copy(g_v, g_hbm.at[pl.ds(0, K)], sem).wait()

    pltpu.sync_copy(i0_hbm.at[pl.ds(base0, K)], idx0a)
    pltpu.sync_copy(i1_hbm.at[pl.ds(base0, K)], idx1a)
    fire4(0, idx0a, idx1a, e_a, vh_a, bh_a, ch_a, sem_a)
    fire_idx(1, idx0b, idx1b, sem_ib)

    def pair_body(pi, carry):
        c0 = 2 * pi
        c1 = c0 + 1
        wait4(idx0a, idx1a, e_a, vh_a, bh_a, ch_a, sem_a)
        wait_idx(idx0b, idx1b, sem_ib)

        @pl.when(pi > 0)
        def _():
            wait_g(vh_b, sem_gb)

        fire4(c1, idx0b, idx1b, e_b, vh_b, bh_b, ch_b, sem_b)
        compute(e_a, vh_a, bh_a, ch_a)
        fire_g(c0, vh_a, sem_ga)
        pltpu.sync_copy(e_a, agg_sh.at[idx0a], add=True)
        fire_idx(c0 + 2, idx0a, idx1a, sem_ia)
        wait4(idx0b, idx1b, e_b, vh_b, bh_b, ch_b, sem_b)
        wait_idx(idx0a, idx1a, sem_ia)
        wait_g(vh_a, sem_ga)

        @pl.when(pi < NPAIR - 1)
        def _():
            fire4(c0 + 2, idx0a, idx1a, e_a, vh_a, bh_a, ch_a, sem_a)

        compute(e_b, vh_b, bh_b, ch_b)
        fire_g(c1, vh_b, sem_gb)
        pltpu.sync_copy(e_b, agg_sh.at[idx0b], add=True)
        fire_idx(c0 + 3, idx0b, idx1b, sem_ib)
        return carry

    lax.fori_loop(0, NPAIR, pair_body, 0)
    wait_idx(idx0b, idx1b, sem_ib)
    wait_g(vh_b, sem_gb)
    plsc.subcore_barrier()

    @pl.when(s < NS - 1)
    def _():
        pltpu.sync_copy(agg_sh.at[pl.ds(s * STRIPE, STRIPE)],
                        agg_hbm.at[c, pl.ds(s * STRIPE, STRIPE)])

    @pl.when(s == NS - 1)
    def _():
        pltpu.sync_copy(agg_sh.at[pl.ds((NS - 1) * STRIPE, STRIPE_LAST)],
                        agg_hbm.at[c, pl.ds((NS - 1) * STRIPE, STRIPE_LAST)])


def _sc_edges(e_in, idx0, idx1, vh, bh, ch, zeros_n):
    mesh = plsc.VectorSubcoreMesh(core_axis_name="c", subcore_axis_name="s",
                                  num_cores=NC, num_subcores=NS)
    return pl.kernel(
        _sc_edge_body,
        out_type=(jax.ShapeDtypeStruct((E, D), jnp.float32),
                  jax.ShapeDtypeStruct((NC, N, D), jnp.float32)),
        mesh=mesh,
        scratch_types=(
            [pltpu.VMEM((K,), jnp.int32)] * 4
            + [pltpu.VMEM((K, D), jnp.float32)] * 8
            + [pltpu.VMEM_SHARED((N, D), jnp.float32)]
            + [pltpu.SemaphoreType.DMA] * 6
        ),
    )(e_in, idx0, idx1, vh, bh, ch, zeros_n)



_NB = 1000
_EB = 8000


def _tables_body(h_ref, uw, ub, vw, vb, bw, bb, cw, cb,
                 uh_ref, vh_ref, bh_ref, ch_ref):
    h = h_ref[...]
    uh_ref[...] = jnp.dot(h, uw[...], preferred_element_type=jnp.float32) + ub[...]
    vh_ref[...] = jnp.dot(h, vw[...], preferred_element_type=jnp.float32) + vb[...]
    bh_ref[...] = jnp.dot(h, bw[...], preferred_element_type=jnp.float32) + bb[...]
    ch_ref[...] = jnp.dot(h, cw[...], preferred_element_type=jnp.float32) + cb[...]


def _tables(h_in, uwt, ub, vwt, vb, bwt, bb, cwt, cb):
    w_spec = pl.BlockSpec((D, D), lambda i: (0, 0))
    b_spec = pl.BlockSpec((1, D), lambda i: (0, 0))
    x_spec = pl.BlockSpec((_NB, D), lambda i: (i, 0))
    return pl.pallas_call(
        _tables_body,
        grid=(N // _NB,),
        in_specs=[x_spec, w_spec, b_spec, w_spec, b_spec, w_spec, b_spec,
                  w_spec, b_spec],
        out_specs=[x_spec, x_spec, x_spec, x_spec],
        out_shape=[jax.ShapeDtypeStruct((N, D), jnp.float32)] * 4,
    )(h_in, uwt, ub, vwt, vb, bwt, bb, cwt, cb)


def _estats_body(e_ref, at, ab, g_ref, sum_ref, ssq_ref):
    pre = (jnp.dot(e_ref[...], at[...], preferred_element_type=jnp.float32)
           + ab[...] + g_ref[...])

    @pl.when(pl.program_id(0) == 0)
    def _():
        sum_ref[...] = jnp.zeros_like(sum_ref)
        ssq_ref[...] = jnp.zeros_like(ssq_ref)

    sum_ref[...] += jnp.sum(pre, axis=0, keepdims=True)
    ssq_ref[...] += jnp.sum(pre * pre, axis=0, keepdims=True)


def _estats(e_in, awt, ab, g):
    w_spec = pl.BlockSpec((D, D), lambda i: (0, 0))
    b_spec = pl.BlockSpec((1, D), lambda i: (0, 0))
    x_spec = pl.BlockSpec((_EB, D), lambda i: (i, 0))
    return pl.pallas_call(
        _estats_body,
        grid=(E // _EB,),
        in_specs=[x_spec, w_spec, b_spec, x_spec],
        out_specs=[b_spec, b_spec],
        out_shape=[jax.ShapeDtypeStruct((1, D), jnp.float32)] * 2,
    )(e_in, awt, ab, g)


def _eout_body(e_ref, at, ab, g_ref, sum_ref, ssq_ref, gam, bet, out_ref):
    pre = (jnp.dot(e_ref[...], at[...], preferred_element_type=jnp.float32)
           + ab[...] + g_ref[...])
    mean = sum_ref[...] * (1.0 / E)
    var = ssq_ref[...] * (1.0 / E) - mean * mean
    inv = lax.rsqrt(var + 1e-5)
    bn = (pre - mean) * inv * gam[...] + bet[...]
    out_ref[...] = e_ref[...] + jnp.maximum(bn, 0.0)


def _eout(e_in, awt, ab, g, esum, essq, gam, bet):
    w_spec = pl.BlockSpec((D, D), lambda i: (0, 0))
    b_spec = pl.BlockSpec((1, D), lambda i: (0, 0))
    x_spec = pl.BlockSpec((_EB, D), lambda i: (i, 0))
    return pl.pallas_call(
        _eout_body,
        grid=(E // _EB,),
        in_specs=[x_spec, w_spec, b_spec, x_spec, b_spec, b_spec, b_spec,
                  b_spec],
        out_specs=x_spec,
        out_shape=jax.ShapeDtypeStruct((E, D), jnp.float32),
    )(e_in, awt, ab, g, esum, essq, gam, bet)


def _hstats_body(uh_ref, a0_ref, a1_ref, sum_ref, ssq_ref):
    pre = uh_ref[...] + a0_ref[...] + a1_ref[...]

    @pl.when(pl.program_id(0) == 0)
    def _():
        sum_ref[...] = jnp.zeros_like(sum_ref)
        ssq_ref[...] = jnp.zeros_like(ssq_ref)

    sum_ref[...] += jnp.sum(pre, axis=0, keepdims=True)
    ssq_ref[...] += jnp.sum(pre * pre, axis=0, keepdims=True)


def _hstats(uh, a0, a1):
    b_spec = pl.BlockSpec((1, D), lambda i: (0, 0))
    x_spec = pl.BlockSpec((_NB, D), lambda i: (i, 0))
    return pl.pallas_call(
        _hstats_body,
        grid=(N // _NB,),
        in_specs=[x_spec, x_spec, x_spec],
        out_specs=[b_spec, b_spec],
        out_shape=[jax.ShapeDtypeStruct((1, D), jnp.float32)] * 2,
    )(uh, a0, a1)


def _hout_body(h_ref, uh_ref, a0_ref, a1_ref, sum_ref, ssq_ref, gam, bet,
               out_ref):
    pre = uh_ref[...] + a0_ref[...] + a1_ref[...]
    mean = sum_ref[...] * (1.0 / N)
    var = ssq_ref[...] * (1.0 / N) - mean * mean
    inv = lax.rsqrt(var + 1e-5)
    bn = (pre - mean) * inv * gam[...] + bet[...]
    out_ref[...] = h_ref[...] + jnp.maximum(bn, 0.0)


def _hout(h_in, uh, a0, a1, hsum, hssq, gam, bet):
    b_spec = pl.BlockSpec((1, D), lambda i: (0, 0))
    x_spec = pl.BlockSpec((_NB, D), lambda i: (i, 0))
    return pl.pallas_call(
        _hout_body,
        grid=(N // _NB,),
        in_specs=[x_spec, x_spec, x_spec, x_spec, b_spec, b_spec, b_spec,
                  b_spec],
        out_specs=x_spec,
        out_shape=jax.ShapeDtypeStruct((N, D), jnp.float32),
    )(h_in, uh, a0, a1, hsum, hssq, gam, bet)


def kernel(h_in, e_in, edge_index, U_w, U_b, V_w, V_b, A_w, A_b, B_w, B_b,
           C_w, C_b, gamma_h, beta_h, gamma_e, beta_e):
    pad = jnp.zeros((2 * K,), jnp.int32)
    idx0 = jnp.concatenate([edge_index[0].astype(jnp.int32), pad])
    idx1 = jnp.concatenate([edge_index[1].astype(jnp.int32), pad])
    ub = U_b.reshape(1, D)
    vb = V_b.reshape(1, D)
    ab = A_b.reshape(1, D)
    bb = B_b.reshape(1, D)
    cb = C_b.reshape(1, D)
    gh = gamma_h.reshape(1, D)
    bh_ = beta_h.reshape(1, D)
    ge = gamma_e.reshape(1, D)
    be = beta_e.reshape(1, D)

    uh, vh, bh, ch = _tables(h_in, U_w.T, ub, V_w.T, vb, B_w.T, bb, C_w.T, cb)

    zeros_n = jnp.zeros((N, D), jnp.float32)
    g, agg = _sc_edges(e_in, idx0, idx1, vh, bh, ch, zeros_n)

    esum, essq = _estats(e_in, A_w.T, ab, g)
    e_out = _eout(e_in, A_w.T, ab, g, esum, essq, ge, be)

    hsum, hssq = _hstats(uh, agg[0], agg[1])
    h_out = _hout(h_in, uh, agg[0], agg[1], hsum, hssq, gh, bh_)
    return (h_out, e_out)

# --- scband reference (transcript-rebuilt; emitter-appended) ---
"""Pipeline reference for scband-gnnlayer-74577812128000 (READ-ONLY COPY).

The authoritative reference and input builder live on the scoring server;
editing this copy changes nothing except your own understanding.
"""

import jax, jax.numpy as jnp
import numpy as np

N = 10000
E = 320000
D = 128


def _batchnorm(x, gamma, beta, eps=1e-5):
    mean = jnp.mean(x, axis=0, keepdims=True)
    var = jnp.var(x, axis=0, keepdims=True)
    return (x - mean) / jnp.sqrt(var + eps) * gamma + beta


def setup_inputs(seed: int = 0) -> dict:
    key = jax.random.key(seed)
    ks = jax.random.split(key, 16)
    inp = {}
    inp['h_in'] = jax.random.normal(ks[0], (N, D), dtype=jnp.float32)
    inp['e_in'] = jax.random.normal(ks[1], (E, D), dtype=jnp.float32)
    inp['edge_index'] = jax.random.randint(ks[2], (2, E), 0, N)
    scale = 1.0 / np.sqrt(D)
    names = ['U', 'V', 'A', 'B', 'C']
    for i, nm in enumerate(names):
        inp[nm + '_w'] = jax.random.normal(ks[3 + i], (D, D), dtype=jnp.float32) * scale
        inp[nm + '_b'] = jnp.zeros((D,), dtype=jnp.float32)
    inp['gamma_h'] = jnp.ones((D,), dtype=jnp.float32)
    inp['beta_h'] = jnp.zeros((D,), dtype=jnp.float32)
    inp['gamma_e'] = jnp.ones((D,), dtype=jnp.float32)
    inp['beta_e'] = jnp.zeros((D,), dtype=jnp.float32)
    return inp


def reference(h_in, e_in, edge_index, U_w, U_b, V_w, V_b, A_w, A_b, B_w, B_b, C_w, C_b, gamma_h, beta_h, gamma_e, beta_e):
    h_initial = h_in
    e_initial = e_in
    Uh = h_in @ U_w.T + U_b
    Vh = h_in @ V_w.T + V_b
    Ae = e_in @ A_w.T + A_b
    Bh = h_in @ B_w.T + B_b
    Ch = h_in @ C_w.T + C_b
    sigmoid_e = jax.nn.sigmoid(e_initial)
    # gather source-side features and aggregate (scatter_add) onto dst nodes
    msgs = sigmoid_e * jnp.take(Vh, edge_index[1], axis=0)
    aggregated_h = jax.ops.segment_sum(msgs, edge_index[0], num_segments=N)
    h = h_initial + jax.nn.relu(_batchnorm(Uh + aggregated_h, gamma_h, beta_h))
    Bhi = jnp.take(Bh, edge_index[0], axis=0)
    Chi = jnp.take(Ch, edge_index[1], axis=0)
    e = e_initial + jax.nn.relu(_batchnorm(Ae + Bhi + Chi, gamma_e, beta_e))
    return (h, e)

if __name__ == "__main__":
    import jax
    _d = setup_inputs()
    print(jax.jit(kernel)(*tuple(_d.values())))

</pallas_src>

<mosaic_0001>
#map = affine_map<(d0, d1) -> (0, 0)>
#map1 = affine_map<(d0, d1) -> (0)>
#map2 = affine_map<(d0, d1) -> (0, 0, 0)>
module attributes {stable_mosaic.version = 14 : i64} {
  func.func @_sc_edge_body(%arg0: i32, %arg1: i32, %arg2: memref<320000x128xf32, #tpu.memory_space<hbm>>, %arg3: memref<320080xi32, #tpu.memory_space<hbm>>, %arg4: memref<320080xi32, #tpu.memory_space<hbm>>, %arg5: memref<10000x128xf32, #tpu.memory_space<hbm>>, %arg6: memref<10000x128xf32, #tpu.memory_space<hbm>>, %arg7: memref<10000x128xf32, #tpu.memory_space<hbm>>, %arg8: memref<10000x128xf32, #tpu.memory_space<hbm>>, %arg9: memref<320000x128xf32, #tpu.memory_space<hbm>>, %arg10: memref<2x10000x128xf32, #tpu.memory_space<hbm>>, %arg11: memref<40xi32, #tpu.memory_space<vmem>>, %arg12: memref<40xi32, #tpu.memory_space<vmem>>, %arg13: memref<40xi32, #tpu.memory_space<vmem>>, %arg14: memref<40xi32, #tpu.memory_space<vmem>>, %arg15: memref<40x128xf32, #tpu.memory_space<vmem>>, %arg16: memref<40x128xf32, #tpu.memory_space<vmem>>, %arg17: memref<40x128xf32, #tpu.memory_space<vmem>>, %arg18: memref<40x128xf32, #tpu.memory_space<vmem>>, %arg19: memref<40x128xf32, #tpu.memory_space<vmem>>, %arg20: memref<40x128xf32, #tpu.memory_space<vmem>>, %arg21: memref<40x128xf32, #tpu.memory_space<vmem>>, %arg22: memref<40x128xf32, #tpu.memory_space<vmem>>, %arg23: memref<10000x128xf32, #tpu.memory_space<vmem_shared>>, %arg24: memref<!tpu.dma_semaphore, #tpu.memory_space<semaphore_mem>>, %arg25: memref<!tpu.dma_semaphore, #tpu.memory_space<semaphore_mem>>, %arg26: memref<!tpu.dma_semaphore, #tpu.memory_space<semaphore_mem>>, %arg27: memref<!tpu.dma_semaphore, #tpu.memory_space<semaphore_mem>>, %arg28: memref<!tpu.dma_semaphore, #tpu.memory_space<semaphore_mem>>, %arg29: memref<!tpu.dma_semaphore, #tpu.memory_space<semaphore_mem>>) attributes {dimension_semantics = [#tpu.dimension_semantics<core_parallel>, #tpu.dimension_semantics<subcore_parallel>], iteration_bounds = array<i64: 2, 16>, scalar_prefetch = 0 : i64, scratch_operands = 19 : i64, tpu.core_type = #tpu.core_type<sc_vector_subcore>, window_params = [{transform_indices = #map}, {transform_indices = #map1}, {transform_indices = #map1}, {transform_indices = #map}, {transform_indices = #map}, {transform_indices = #map}, {transform_indices = #map}, {transform_indices = #map}, {transform_indices = #map2}]} {
    %mul3A = arith.constant 2 : i32
    %mul3A_0 = arith.muli %arg1, %mul3A : i32
    %add3A = arith.addi %mul3A_0, %arg0 : i32
    %mul3A_1 = arith.constant 10000 : i32
    %mul3A_2 = arith.muli %add3A, %mul3A_1 : i32
    %lt3A = arith.constant 15 : i32
    %lt3A_3 = arith.cmpi slt, %arg1, %lt3A : i32
    %convert_element_type3A = arith.extui %lt3A_3 : i1 to i32
    %cond3A = arith.constant 0 : i32
    %cond3A_4 = arith.cmpi ne, %convert_element_type3A, %cond3A : i32
    scf.if %cond3A_4 {
      %mul3A_58 = arith.constant 624 : i32
      %mul3A_59 = arith.muli %arg1, %mul3A_58 : i32
      %mul3A_60 = arith.constant 624 : i32
      %mul3A_61 = arith.muli %arg1, %mul3A_60 : i32
      "tpu.region"() ({
        %run_scoped3A = tpu.sem_alloc : memref<!tpu.dma_semaphore, #tpu.memory_space<semaphore_mem>>
        %dma_start3A_62 = arith.constant 0 : i32
        %dma_start3A_63 = tpu.memref_slice %arg23[%mul3A_61, %dma_start3A_62] : memref<10000x128xf32, #tpu.memory_space<vmem_shared>> -> memref<624x128xf32, #tpu.memory_space<vmem_shared>>
        %dma_start3A_64 = arith.constant 0 : i32
        %dma_start3A_65 = tpu.memref_slice %arg8[%mul3A_59, %dma_start3A_64] : memref<10000x128xf32, #tpu.memory_space<hbm>> -> memref<624x128xf32, #tpu.memory_space<hbm>>
        tpu.enqueue_dma source(%dma_start3A_65 : memref<624x128xf32, #tpu.memory_space<hbm>>) target(%dma_start3A_63 : memref<624x128xf32, #tpu.memory_space<vmem_shared>>) target_semaphore(%run_scoped3A : memref<!tpu.dma_semaphore, #tpu.memory_space<semaphore_mem>>)
        %dma_wait3A_66 = arith.constant 0 : i32
        %dma_wait3A_67 = tpu.memref_slice %arg23[%mul3A_61, %dma_wait3A_66] : memref<10000x128xf32, #tpu.memory_space<vmem_shared>> -> memref<624x128xf32, #tpu.memory_space<vmem_shared>>
        %dma_wait3A_68 = arith.constant 0 : i32
        %dma_wait3A_69 = tpu.memref_slice %arg8[%mul3A_59, %dma_wait3A_68] : memref<10000x128xf32, #tpu.memory_space<hbm>> -> memref<624x128xf32, #tpu.memory_space<hbm>>
        tpu.wait_dma2 semaphore(%run_scoped3A : memref<!tpu.dma_semaphore, #tpu.memory_space<semaphore_mem>>) src(%dma_wait3A_69 : memref<624x128xf32, #tpu.memory_space<hbm>>) dst(%dma_wait3A_67 : memref<624x128xf32, #tpu.memory_space<vmem_shared>>)
        tpu.yield
      }) : () -> ()
    } else {
    }
    %eq3A = arith.constant 15 : i32
    %eq3A_5 = arith.cmpi eq, %arg1, %eq3A : i32
    %convert_element_type3A_6 = arith.extui %eq3A_5 : i1 to i32
    %cond3A_7 = arith.constant 0 : i32
    %cond3A_8 = arith.cmpi ne, %convert_element_type3A_6, %cond3A_7 : i32
    scf.if %cond3A_8 {
      "tpu.region"() ({
        %run_scoped3A = tpu.sem_alloc : memref<!tpu.dma_semaphore, #tpu.memory_space<semaphore_mem>>
        %dma_start3A_58 = arith.constant 9360 : i32
        %dma_start3A_59 = arith.constant 0 : i32
        %dma_start3A_60 = tpu.memref_slice %arg23[%dma_start3A_58, %dma_start3A_59] : memref<10000x128xf32, #tpu.memory_space<vmem_shared>> -> memref<640x128xf32, #tpu.memory_space<vmem_shared>>
        %dma_start3A_61 = arith.constant 9360 : i32
        %dma_start3A_62 = arith.constant 0 : i32
        %dma_start3A_63 = tpu.memref_slice %arg8[%dma_start3A_61, %dma_start3A_62] : memref<10000x128xf32, #tpu.memory_space<hbm>> -> memref<640x128xf32, #tpu.memory_space<hbm>>
        tpu.enqueue_dma source(%dma_start3A_63 : memref<640x128xf32, #tpu.memory_space<hbm>>) target(%dma_start3A_60 : memref<640x128xf32, #tpu.memory_space<vmem_shared>>) target_semaphore(%run_scoped3A : memref<!tpu.dma_semaphore, #tpu.memory_space<semaphore_mem>>)
        %dma_wait3A_64 = arith.constant 9360 : i32
        %dma_wait3A_65 = arith.constant 0 : i32
        %dma_wait3A_66 = tpu.memref_slice %arg23[%dma_wait3A_64, %dma_wait3A_65] : memref<10000x128xf32, #tpu.memory_space<vmem_shared>> -> memref<640x128xf32, #tpu.memory_space<vmem_shared>>
        %dma_wait3A_67 = arith.constant 9360 : i32
        %dma_wait3A_68 = arith.constant 0 : i32
        %dma_wait3A_69 = tpu.memref_slice %arg8[%dma_wait3A_67, %dma_wait3A_68] : memref<10000x128xf32, #tpu.memory_space<hbm>> -> memref<640x128xf32, #tpu.memory_space<hbm>>
        tpu.wait_dma2 semaphore(%run_scoped3A : memref<!tpu.dma_semaphore, #tpu.memory_space<semaphore_mem>>) src(%dma_wait3A_69 : memref<640x128xf32, #tpu.memory_space<hbm>>) dst(%dma_wait3A_66 : memref<640x128xf32, #tpu.memory_space<vmem_shared>>)
        tpu.yield
      }) : () -> ()
    } else {
    }
    %barrier3A = arith.constant 0 : index
    tpu.barrier barrier_id(%barrier3A)
    "tpu.region"() ({
      %run_scoped3A = tpu.sem_alloc : memref<!tpu.dma_semaphore, #tpu.memory_space<semaphore_mem>>
      %dma_start3A_58 = tpu.memref_slice %arg3[%mul3A_2] : memref<320080xi32, #tpu.memory_space<hbm>> -> memref<40xi32, #tpu.memory_space<hbm>>
      %dma_start3A_59 = tpu.memref_slice %arg3[%mul3A_2] : memref<320080xi32, #tpu.memory_space<hbm>> -> memref<40xi32, #tpu.memory_space<hbm>>
      tpu.enqueue_dma source(%dma_start3A_59 : memref<40xi32, #tpu.memory_space<hbm>>) target(%arg11 : memref<40xi32, #tpu.memory_space<vmem>>) target_semaphore(%run_scoped3A : memref<!tpu.dma_semaphore, #tpu.memory_space<semaphore_mem>>)
      %dma_wait3A_60 = tpu.memref_slice %arg3[%mul3A_2] : memref<320080xi32, #tpu.memory_space<hbm>> -> memref<40xi32, #tpu.memory_space<hbm>>
      %dma_wait3A_61 = tpu.memref_slice %arg3[%mul3A_2] : memref<320080xi32, #tpu.memory_space<hbm>> -> memref<40xi32, #tpu.memory_space<hbm>>
      tpu.wait_dma2 semaphore(%run_scoped3A : memref<!tpu.dma_semaphore, #tpu.memory_space<semaphore_mem>>) src(%dma_wait3A_61 : memref<40xi32, #tpu.memory_space<hbm>>) dst(%arg11 : memref<40xi32, #tpu.memory_space<vmem>>)
      tpu.yield
    }) : () -> ()
    "tpu.region"() ({
      %run_scoped3A = tpu.sem_alloc : memref<!tpu.dma_semaphore, #tpu.memory_space<semaphore_mem>>
      %dma_start3A_58 = tpu.memref_slice %arg4[%mul3A_2] : memref<320080xi32, #tpu.memory_space<hbm>> -> memref<40xi32, #tpu.memory_space<hbm>>
      %dma_start3A_59 = tpu.memref_slice %arg4[%mul3A_2] : memref<320080xi32, #tpu.memory_space<hbm>> -> memref<40xi32, #tpu.memory_space<hbm>>
      tpu.enqueue_dma source(%dma_start3A_59 : memref<40xi32, #tpu.memory_space<hbm>>) target(%arg12 : memref<40xi32, #tpu.memory_space<vmem>>) target_semaphore(%run_scoped3A : memref<!tpu.dma_semaphore, #tpu.memory_space<semaphore_mem>>)
      %dma_wait3A_60 = tpu.memref_slice %arg4[%mul3A_2] : memref<320080xi32, #tpu.memory_space<hbm>> -> memref<40xi32, #tpu.memory_space<hbm>>
      %dma_wait3A_61 = tpu.memref_slice %arg4[%mul3A_2] : memref<320080xi32, #tpu.memory_space<hbm>> -> memref<40xi32, #tpu.memory_space<hbm>>
      tpu.wait_dma2 semaphore(%run_scoped3A : memref<!tpu.dma_semaphore, #tpu.memory_space<semaphore_mem>>) src(%dma_wait3A_61 : memref<40xi32, #tpu.memory_space<hbm>>) dst(%arg12 : memref<40xi32, #tpu.memory_space<vmem>>)
      tpu.yield
    }) : () -> ()
    %dma_start3A = arith.constant 0 : i32
    %dma_start3A_9 = arith.constant 0 : i32
    %dma_start3A_10 = tpu.memref_slice %arg5[%dma_start3A, %dma_start3A_9] : memref<10000x128xf32, #tpu.memory_space<hbm>> -> memref<10000x128xf32, #tpu.memory_space<hbm>>
    tpu.enqueue_indirect_dma source(%dma_start3A_10 : memref<10000x128xf32, #tpu.memory_space<hbm>>) target(%arg16 : memref<40x128xf32, #tpu.memory_space<vmem>>) offsets(%arg12 : memref<40xi32, #tpu.memory_space<vmem>>) semaphore(%arg24 : memref<!tpu.dma_semaphore, #tpu.memory_space<semaphore_mem>>)
    %dma_start3A_11 = arith.constant 0 : i32
    %dma_start3A_12 = arith.constant 0 : i32
    %dma_start3A_13 = tpu.memref_slice %arg6[%dma_start3A_11, %dma_start3A_12] : memref<10000x128xf32, #tpu.memory_space<hbm>> -> memref<10000x128xf32, #tpu.memory_space<hbm>>
    tpu.enqueue_indirect_dma source(%dma_start3A_13 : memref<10000x128xf32, #tpu.memory_space<hbm>>) target(%arg17 : memref<40x128xf32, #tpu.memory_space<vmem>>) offsets(%arg11 : memref<40xi32, #tpu.memory_space<vmem>>) semaphore(%arg24 : memref<!tpu.dma_semaphore, #tpu.memory_space<semaphore_mem>>)
    %dma_start3A_14 = arith.constant 0 : i32
    %dma_start3A_15 = arith.constant 0 : i32
    %dma_start3A_16 = tpu.memref_slice %arg7[%dma_start3A_14, %dma_start3A_15] : memref<10000x128xf32, #tpu.memory_space<hbm>> -> memref<10000x128xf32, #tpu.memory_space<hbm>>
    tpu.enqueue_indirect_dma source(%dma_start3A_16 : memref<10000x128xf32, #tpu.memory_space<hbm>>) target(%arg18 : memref<40x128xf32, #tpu.memory_space<vmem>>) offsets(%arg12 : memref<40xi32, #tpu.memory_space<vmem>>) semaphore(%arg24 : memref<!tpu.dma_semaphore, #tpu.memory_space<semaphore_mem>>)
    %add3A_17 = arith.constant 0 : i32
    %add3A_18 = arith.addi %mul3A_2, %add3A_17 : i32
    %dma_start3A_19 = arith.constant 0 : i32
    %dma_start3A_20 = tpu.memref_slice %arg2[%add3A_18, %dma_start3A_19] : memref<320000x128xf32, #tpu.memory_space<hbm>> -> memref<40x128xf32, #tpu.memory_space<hbm>>
    %dma_start3A_21 = arith.constant 0 : i32
    %dma_start3A_22 = tpu.memref_slice %arg2[%add3A_18, %dma_start3A_21] : memref<320000x128xf32, #tpu.memory_space<hbm>> -> memref<40x128xf32, #tpu.memory_space<hbm>>
    tpu.enqueue_dma source(%dma_start3A_22 : memref<40x128xf32, #tpu.memory_space<hbm>>) target(%arg15 : memref<40x128xf32, #tpu.memory_space<vmem>>) target_semaphore(%arg24 : memref<!tpu.dma_semaphore, #tpu.memory_space<semaphore_mem>>)
    %add3A_23 = arith.constant 40 : i32
    %add3A_24 = arith.addi %mul3A_2, %add3A_23 : i32
    %dma_start3A_25 = tpu.memref_slice %arg3[%add3A_24] : memref<320080xi32, #tpu.memory_space<hbm>> -> memref<40xi32, #tpu.memory_space<hbm>>
    %dma_start3A_26 = tpu.memref_slice %arg3[%add3A_24] : memref<320080xi32, #tpu.memory_space<hbm>> -> memref<40xi32, #tpu.memory_space<hbm>>
    tpu.enqueue_dma source(%dma_start3A_26 : memref<40xi32, #tpu.memory_space<hbm>>) target(%arg13 : memref<40xi32, #tpu.memory_space<vmem>>) target_semaphore(%arg27 : memref<!tpu.dma_semaphore, #tpu.memory_space<semaphore_mem>>)
    %dma_start3A_27 = tpu.memref_slice %arg4[%add3A_24] : memref<320080xi32, #tpu.memory_space<hbm>> -> memref<40xi32, #tpu.memory_space<hbm>>
    %dma_start3A_28 = tpu.memref_slice %arg4[%add3A_24] : memref<320080xi32, #tpu.memory_space<hbm>> -> memref<40xi32, #tpu.memory_space<hbm>>
    tpu.enqueue_dma source(%dma_start3A_28 : memref<40xi32, #tpu.memory_space<hbm>>) target(%arg14 : memref<40xi32, #tpu.memory_space<vmem>>) target_semaphore(%arg27 : memref<!tpu.dma_semaphore, #tpu.memory_space<semaphore_mem>>)
    %scan3A = arith.constant 0 : i32
    %scan3A_29 = arith.constant 0 : i32
    %scan3A_30 = arith.constant 125 : i32
    %scan3A_31 = arith.addi %scan3A_29, %scan3A_30 : i32
    %scan3A_32 = arith.constant 1 : i32
    scf.for %scan3A_58 = %scan3A_29 to %scan3A_31 step %scan3A_32  : i32 {
      %mul3A_59 = arith.constant 2 : i32
      %mul3A_60 = arith.muli %mul3A_59, %scan3A_58 : i32
      %add3A_61 = arith.constant 1 : i32
      %add3A_62 = arith.addi %mul3A_60, %add3A_61 : i32
      %dma_wait3A_63 = arith.constant 0 : i32
      %dma_wait3A_64 = arith.constant 0 : i32
      %dma_wait3A_65 = tpu.memref_slice %arg5[%dma_wait3A_63, %dma_wait3A_64] : memref<10000x128xf32, #tpu.memory_space<hbm>> -> memref<10000x128xf32, #tpu.memory_space<hbm>>
      tpu.wait_indirect_dma semaphore(%arg24 : memref<!tpu.dma_semaphore, #tpu.memory_space<semaphore_mem>>) src(%dma_wait3A_65 : memref<10000x128xf32, #tpu.memory_space<hbm>>) dst(%arg16 : memref<40x128xf32, #tpu.memory_space<vmem>>)
      %dma_wait3A_66 = arith.constant 0 : i32
      %dma_wait3A_67 = arith.constant 0 : i32
      %dma_wait3A_68 = tpu.memref_slice %arg6[%dma_wait3A_66, %dma_wait3A_67] : memref<10000x128xf32, #tpu.memory_space<hbm>> -> memref<10000x128xf32, #tpu.memory_space<hbm>>
      tpu.wait_indirect_dma semaphore(%arg24 : memref<!tpu.dma_semaphore, #tpu.memory_space<semaphore_mem>>) src(%dma_wait3A_68 : memref<10000x128xf32, #tpu.memory_space<hbm>>) dst(%arg17 : memref<40x128xf32, #tpu.memory_space<vmem>>)
      %dma_wait3A_69 = arith.constant 0 : i32
      %dma_wait3A_70 = arith.constant 0 : i32
      %dma_wait3A_71 = tpu.memref_slice %arg7[%dma_wait3A_69, %dma_wait3A_70] : memref<10000x128xf32, #tpu.memory_space<hbm>> -> memref<10000x128xf32, #tpu.memory_space<hbm>>
      tpu.wait_indirect_dma semaphore(%arg24 : memref<!tpu.dma_semaphore, #tpu.memory_space<semaphore_mem>>) src(%dma_wait3A_71 : memref<10000x128xf32, #tpu.memory_space<hbm>>) dst(%arg18 : memref<40x128xf32, #tpu.memory_space<vmem>>)
      %dma_wait3A_72 = arith.constant 0 : i32
      %dma_wait3A_73 = arith.constant 0 : i32
      %dma_wait3A_74 = tpu.memref_slice %arg2[%dma_wait3A_72, %dma_wait3A_73] : memref<320000x128xf32, #tpu.memory_space<hbm>> -> memref<40x128xf32, #tpu.memory_space<hbm>>
      %dma_wait3A_75 = arith.constant 0 : i32
      %dma_wait3A_76 = arith.constant 0 : i32
      %dma_wait3A_77 = tpu.memref_slice %arg2[%dma_wait3A_75, %dma_wait3A_76] : memref<320000x128xf32, #tpu.memory_space<hbm>> -> memref<40x128xf32, #tpu.memory_space<hbm>>
      tpu.wait_dma2 semaphore(%arg24 : memref<!tpu.dma_semaphore, #tpu.memory_space<semaphore_mem>>) src(%dma_wait3A_77 : memref<40x128xf32, #tpu.memory_space<hbm>>) dst(%arg15 : memref<40x128xf32, #tpu.memory_space<vmem>>)
      %dma_wait3A_78 = arith.constant 0 : i32
      %dma_wait3A_79 = tpu.memref_slice %arg3[%dma_wait3A_78] : memref<320080xi32, #tpu.memory_space<hbm>> -> memref<40xi32, #tpu.memory_space<hbm>>
      %dma_wait3A_80 = arith.constant 0 : i32
      %dma_wait3A_81 = tpu.memref_slice %arg3[%dma_wait3A_80] : memref<320080xi32, #tpu.memory_space<hbm>> -> memref<40xi32, #tpu.memory_space<hbm>>
      tpu.wait_dma2 semaphore(%arg27 : memref<!tpu.dma_semaphore, #tpu.memory_space<semaphore_mem>>) src(%dma_wait3A_81 : memref<40xi32, #tpu.memory_space<hbm>>) dst(%arg13 : memref<40xi32, #tpu.memory_space<vmem>>)
      %dma_wait3A_82 = arith.constant 0 : i32
      %dma_wait3A_83 = tpu.memref_slice %arg4[%dma_wait3A_82] : memref<320080xi32, #tpu.memory_space<hbm>> -> memref<40xi32, #tpu.memory_space<hbm>>
      %dma_wait3A_84 = arith.constant 0 : i32
      %dma_wait3A_85 = tpu.memref_slice %arg4[%dma_wait3A_84] : memref<320080xi32, #tpu.memory_space<hbm>> -> memref<40xi32, #tpu.memory_space<hbm>>
      tpu.wait_dma2 semaphore(%arg27 : memref<!tpu.dma_semaphore, #tpu.memory_space<semaphore_mem>>) src(%dma_wait3A_85 : memref<40xi32, #tpu.memory_space<hbm>>) dst(%arg14 : memref<40xi32, #tpu.memory_space<vmem>>)
      %gt3A = arith.constant 0 : i32
      %gt3A_86 = arith.cmpi sgt, %scan3A_58, %gt3A : i32
      %convert_element_type3A_87 = arith.extui %gt3A_86 : i1 to i32
      %cond3A_88 = arith.constant 0 : i32
      %cond3A_89 = arith.cmpi ne, %convert_element_type3A_87, %cond3A_88 : i32
      scf.if %cond3A_89 {
        %dma_wait3A_184 = arith.constant 0 : i32
        %dma_wait3A_185 = arith.constant 0 : i32
        %dma_wait3A_186 = tpu.memref_slice %arg9[%dma_wait3A_184, %dma_wait3A_185] : memref<320000x128xf32, #tpu.memory_space<hbm>> -> memref<40x128xf32, #tpu.memory_space<hbm>>
        %dma_wait3A_187 = arith.constant 0 : i32
        %dma_wait3A_188 = arith.constant 0 : i32
        %dma_wait3A_189 = tpu.memref_slice %arg9[%dma_wait3A_187, %dma_wait3A_188] : memref<320000x128xf32, #tpu.memory_space<hbm>> -> memref<40x128xf32, #tpu.memory_space<hbm>>
        tpu.wait_dma2 semaphore(%arg29 : memref<!tpu.dma_semaphore, #tpu.memory_space<semaphore_mem>>) src(%arg20 : memref<40x128xf32, #tpu.memory_space<vmem>>) dst(%dma_wait3A_189 : memref<40x128xf32, #tpu.memory_space<hbm>>)
      } else {
      }
      %dma_start3A_90 = arith.constant 0 : i32
      %dma_start3A_91 = arith.constant 0 : i32
      %dma_start3A_92 = tpu.memref_slice %arg5[%dma_start3A_90, %dma_start3A_91] : memref<10000x128xf32, #tpu.memory_space<hbm>> -> memref<10000x128xf32, #tpu.memory_space<hbm>>
      tpu.enqueue_indirect_dma source(%dma_start3A_92 : memref<10000x128xf32, #tpu.memory_space<hbm>>) target(%arg20 : memref<40x128xf32, #tpu.memory_space<vmem>>) offsets(%arg14 : memref<40xi32, #tpu.memory_space<vmem>>) semaphore(%arg25 : memref<!tpu.dma_semaphore, #tpu.memory_space<semaphore_mem>>)
      %dma_start3A_93 = arith.constant 0 : i32
      %dma_start3A_94 = arith.constant 0 : i32
      %dma_start3A_95 = tpu.memref_slice %arg6[%dma_start3A_93, %dma_start3A_94] : memref<10000x128xf32, #tpu.memory_space<hbm>> -> memref<10000x128xf32, #tpu.memory_space<hbm>>
      tpu.enqueue_indirect_dma source(%dma_start3A_95 : memref<10000x128xf32, #tpu.memory_space<hbm>>) target(%arg21 : memref<40x128xf32, #tpu.memory_space<vmem>>) offsets(%arg13 : memref<40xi32, #tpu.memory_space<vmem>>) semaphore(%arg25 : memref<!tpu.dma_semaphore, #tpu.memory_space<semaphore_mem>>)
      %dma_start3A_96 = arith.constant 0 : i32
      %dma_start3A_97 = arith.constant 0 : i32
      %dma_start3A_98 = tpu.memref_slice %arg7[%dma_start3A_96, %dma_start3A_97] : memref<10000x128xf32, #tpu.memory_space<hbm>> -> memref<10000x128xf32, #tpu.memory_space<hbm>>
      tpu.enqueue_indirect_dma source(%dma_start3A_98 : memref<10000x128xf32, #tpu.memory_space<hbm>>) target(%arg22 : memref<40x128xf32, #tpu.memory_space<vmem>>) offsets(%arg14 : memref<40xi32, #tpu.memory_space<vmem>>) semaphore(%arg25 : memref<!tpu.dma_semaphore, #tpu.memory_space<semaphore_mem>>)
      %mul3A_99 = arith.constant 40 : i32
      %mul3A_100 = arith.muli %add3A_62, %mul3A_99 : i32
      %add3A_101 = arith.addi %mul3A_2, %mul3A_100 : i32
      %dma_start3A_102 = arith.constant 0 : i32
      %dma_start3A_103 = tpu.memref_slice %arg2[%add3A_101, %dma_start3A_102] : memref<320000x128xf32, #tpu.memory_space<hbm>> -> memref<40x128xf32, #tpu.memory_space<hbm>>
      %dma_start3A_104 = arith.constant 0 : i32
      %dma_start3A_105 = tpu.memref_slice %arg2[%add3A_101, %dma_start3A_104] : memref<320000x128xf32, #tpu.memory_space<hbm>> -> memref<40x128xf32, #tpu.memory_space<hbm>>
      tpu.enqueue_dma source(%dma_start3A_105 : memref<40x128xf32, #tpu.memory_space<hbm>>) target(%arg19 : memref<40x128xf32, #tpu.memory_space<vmem>>) target_semaphore(%arg25 : memref<!tpu.dma_semaphore, #tpu.memory_space<semaphore_mem>>)
      %scan3A_106 = arith.constant 0 : i32
      %scan3A_107 = arith.constant 0 : i32
      %scan3A_108 = arith.constant 40 : i32
      %scan3A_109 = arith.addi %scan3A_107, %scan3A_108 : i32
      %scan3A_110 = arith.constant 1 : i32
      scf.for %scan3A_184 = %scan3A_107 to %scan3A_109 step %scan3A_110  : i32 {
        %get3A = arith.index_cast %scan3A_184 : i32 to index
        %get3A_185 = arith.constant 0 : index
        %get3A_186 = tpu.vector_load %arg15[%get3A, %get3A_185] {strides = array<i32>} : memref<40x128xf32, #tpu.memory_space<vmem>>, vector<1x16xf32>,
        %get3A_187 = vector.shape_cast %get3A_186 : vector<1x16xf32> to vector<16xf32>
        %get3A_188 = arith.index_cast %scan3A_184 : i32 to index
        %get3A_189 = arith.constant 0 : index
        %get3A_190 = tpu.vector_load %arg16[%get3A_188, %get3A_189] {strides = array<i32>} : memref<40x128xf32, #tpu.memory_space<vmem>>, vector<1x16xf32>,
        %get3A_191 = vector.shape_cast %get3A_190 : vector<1x16xf32> to vector<16xf32>
        %neg3A = arith.constant 0.000000e+00 : f32
        %neg3A_192 = vector.broadcast %neg3A : f32 to vector<16xf32>
        %neg3A_193 = arith.subf %neg3A_192, %get3A_187 : vector<16xf32>
        %exp3A = math.exp %neg3A_193 : vector<16xf32>
        %add3A_194 = arith.constant 1.000000e+00 : f32
        %add3A_195 = vector.broadcast %add3A_194 : f32 to vector<16xf32>
        %add3A_196 = arith.addf %add3A_195, %exp3A : vector<16xf32>
        %div3A = arith.divf %get3A_191, %add3A_196 : vector<16xf32>
        %swap3A = arith.index_cast %scan3A_184 : i32 to index
        %swap3A_197 = arith.constant 0 : index
        %swap3A_198 = tpu.vector_load %arg15[%swap3A, %swap3A_197] {strides = array<i32>} : memref<40x128xf32, #tpu.memory_space<vmem>>, vector<1x16xf32>,
        %swap3A_199 = vector.shape_cast %swap3A_198 : vector<1x16xf32> to vector<16xf32>
        %swap3A_200 = vector.shape_cast %div3A : vector<16xf32> to vector<1x16xf32>
        tpu.vector_store %arg15[%swap3A, %swap3A_197], %swap3A_200 {strides = array<i32>} : memref<40x128xf32, #tpu.memory_space<vmem>>, vector<1x16xf32>,
        %get3A_201 = arith.index_cast %scan3A_184 : i32 to index
        %get3A_202 = arith.constant 0 : index
        %get3A_203 = tpu.vector_load %arg17[%get3A_201, %get3A_202] {strides = array<i32>} : memref<40x128xf32, #tpu.memory_space<vmem>>, vector<1x16xf32>,
        %get3A_204 = vector.shape_cast %get3A_203 : vector<1x16xf32> to vector<16xf32>
        %get3A_205 = arith.index_cast %scan3A_184 : i32 to index
        %get3A_206 = arith.constant 0 : index
        %get3A_207 = tpu.vector_load %arg18[%get3A_205, %get3A_206] {strides = array<i32>} : memref<40x128xf32, #tpu.memory_space<vmem>>, vector<1x16xf32>,
        %get3A_208 = vector.shape_cast %get3A_207 : vector<1x16xf32> to vector<16xf32>
        %add3A_209 = arith.addf %get3A_204, %get3A_208 : vector<16xf32>
        %swap3A_210 = arith.index_cast %scan3A_184 : i32 to index
        %swap3A_211 = arith.constant 0 : index
        %swap3A_212 = tpu.vector_load %arg16[%swap3A_210, %swap3A_211] {strides = array<i32>} : memref<40x128xf32, #tpu.memory_space<vmem>>, vector<1x16xf32>,
        %swap3A_213 = vector.shape_cast %swap3A_212 : vector<1x16xf32> to vector<16xf32>
        %swap3A_214 = vector.shape_cast %add3A_209 : vector<16xf32> to vector<1x16xf32>
        tpu.vector_store %arg16[%swap3A_210, %swap3A_211], %swap3A_214 {strides = array<i32>} : memref<40x128xf32, #tpu.memory_space<vmem>>, vector<1x16xf32>,
        %get3A_215 = arith.index_cast %scan3A_184 : i32 to index
        %get3A_216 = arith.constant 16 : index
        %get3A_217 = tpu.vector_load %arg15[%get3A_215, %get3A_216] {strides = array<i32>} : memref<40x128xf32, #tpu.memory_space<vmem>>, vector<1x16xf32>,
        %get3A_218 = vector.shape_cast %get3A_217 : vector<1x16xf32> to vector<16xf32>
        %get3A_219 = arith.index_cast %scan3A_184 : i32 to index
        %get3A_220 = arith.constant 16 : index
        %get3A_221 = tpu.vector_load %arg16[%get3A_219, %get3A_220] {strides = array<i32>} : memref<40x128xf32, #tpu.memory_space<vmem>>, vector<1x16xf32>,
        %get3A_222 = vector.shape_cast %get3A_221 : vector<1x16xf32> to vector<16xf32>
        %neg3A_223 = arith.constant 0.000000e+00 : f32
        %neg3A_224 = vector.broadcast %neg3A_223 : f32 to vector<16xf32>
        %neg3A_225 = arith.subf %neg3A_224, %get3A_218 : vector<16xf32>
        %exp3A_226 = math.exp %neg3A_225 : vector<16xf32>
        %add3A_227 = arith.constant 1.000000e+00 : f32
        %add3A_228 = vector.broadcast %add3A_227 : f32 to vector<16xf32>
        %add3A_229 = arith.addf %add3A_228, %exp3A_226 : vector<16xf32>
        %div3A_230 = arith.divf %get3A_222, %add3A_229 : vector<16xf32>
        %swap3A_231 = arith.index_cast %scan3A_184 : i32 to index
        %swap3A_232 = arith.constant 16 : index
        %swap3A_233 = tpu.vector_load %arg15[%swap3A_231, %swap3A_232] {strides = array<i32>} : memref<40x128xf32, #tpu.memory_space<vmem>>, vector<1x16xf32>,
        %swap3A_234 = vector.shape_cast %swap3A_233 : vector<1x16xf32> to vector<16xf32>
        %swap3A_235 = vector.shape_cast %div3A_230 : vector<16xf32> to vector<1x16xf32>
        tpu.vector_store %arg15[%swap3A_231, %swap3A_232], %swap3A_235 {strides = array<i32>} : memref<40x128xf32, #tpu.memory_space<vmem>>, vector<1x16xf32>,
        %get3A_236 = arith.index_cast %scan3A_184 : i32 to index
        %get3A_237 = arith.constant 16 : index
        %get3A_238 = tpu.vector_load %arg17[%get3A_236, %get3A_237] {strides = array<i32>} : memref<40x128xf32, #tpu.memory_space<vmem>>, vector<1x16xf32>,
        %get3A_239 = vector.shape_cast %get3A_238 : vector<1x16xf32> to vector<16xf32>
        %get3A_240 = arith.index_cast %scan3A_184 : i32 to index
        %get3A_241 = arith.constant 16 : index
        %get3A_242 = tpu.vector_load %arg18[%get3A_240, %get3A_241] {strides = array<i32>} : memref<40x128xf32, #tpu.memory_space<vmem>>, vector<1x16xf32>,
        %get3A_243 = vector.shape_cast %get3A_242 : vector<1x16xf32> to vector<16xf32>
        %add3A_244 = arith.addf %get3A_239, %get3A_243 : vector<16xf32>
        %swap3A_245 = arith.index_cast %scan3A_184 : i32 to index
        %swap3A_246 = arith.constant 16 : index
        %swap3A_247 = tpu.vector_load %arg16[%swap3A_245, %swap3A_246] {strides = array<i32>} : memref<40x128xf32, #tpu.memory_space<vmem>>, vector<1x16xf32>,
        %swap3A_248 = vector.shape_cast %swap3A_247 : vector<1x16xf32> to vector<16xf32>
        %swap3A_249 = vector.shape_cast %add3A_244 : vector<16xf32> to vector<1x16xf32>
        tpu.vector_store %arg16[%swap3A_245, %swap3A_246], %swap3A_249 {strides = array<i32>} : memref<40x128xf32, #tpu.memory_space<vmem>>, vector<1x16xf32>,
        %get3A_250 = arith.index_cast %scan3A_184 : i32 to index
        %get3A_251 = arith.constant 32 : index
        %get3A_252 = tpu.vector_load %arg15[%get3A_250, %get3A_251] {strides = array<i32>} : memref<40x128xf32, #tpu.memory_space<vmem>>, vector<1x16xf32>,
        %get3A_253 = vector.shape_cast %get3A_252 : vector<1x16xf32> to vector<16xf32>
        %get3A_254 = arith.index_cast %scan3A_184 : i32 to index
        %get3A_255 = arith.constant 32 : index
        %get3A_256 = tpu.vector_load %arg16[%get3A_254, %get3A_255] {strides = array<i32>} : memref<40x128xf32, #tpu.memory_space<vmem>>, vector<1x16xf32>,
        %get3A_257 = vector.shape_cast %get3A_256 : vector<1x16xf32> to vector<16xf32>
        %neg3A_258 = arith.constant 0.000000e+00 : f32
        %neg3A_259 = vector.broadcast %neg3A_258 : f32 to vector<16xf32>
        %neg3A_260 = arith.subf %neg3A_259, %get3A_253 : vector<16xf32>
        %exp3A_261 = math.exp %neg3A_260 : vector<16xf32>
        %add3A_262 = arith.constant 1.000000e+00 : f32
        %add3A_263 = vector.broadcast %add3A_262 : f32 to vector<16xf32>
        %add3A_264 = arith.addf %add3A_263, %exp3A_261 : vector<16xf32>
        %div3A_265 = arith.divf %get3A_257, %add3A_264 : vector<16xf32>
        %swap3A_266 = arith.index_cast %scan3A_184 : i32 to index
        %swap3A_267 = arith.constant 32 : index
        %swap3A_268 = tpu.vector_load %arg15[%swap3A_266, %swap3A_267] {strides = array<i32>} : memref<40x128xf32, #tpu.memory_space<vmem>>, vector<1x16xf32>,
        %swap3A_269 = vector.shape_cast %swap3A_268 : vector<1x16xf32> to vector<16xf32>
        %swap3A_270 = vector.shape_cast %div3A_265 : vector<16xf32> to vector<1x16xf32>
        tpu.vector_store %arg15[%swap3A_266, %swap3A_267], %swap3A_270 {strides = array<i32>} : memref<40x128xf32, #tpu.memory_space<vmem>>, vector<1x16xf32>,
        %get3A_271 = arith.index_cast %scan3A_184 : i32 to index
        %get3A_272 = arith.constant 32 : index
        %get3A_273 = tpu.vector_load %arg17[%get3A_271, %get3A_272] {strides = array<i32>} : memref<40x128xf32, #tpu.memory_space<vmem>>, vector<1x16xf32>,
        %get3A_274 = vector.shape_cast %get3A_273 : vector<1x16xf32> to vector<16xf32>
        %get3A_275 = arith.index_cast %scan3A_184 : i32 to index
        %get3A_276 = arith.constant 32 : index
        %get3A_277 = tpu.vector_load %arg18[%get3A_275, %get3A_276] {strides = array<i32>} : memref<40x128xf32, #tpu.memory_space<vmem>>, vector<1x16xf32>,
        %get3A_278 = vector.shape_cast %get3A_277 : vector<1x16xf32> to vector<16xf32>
        %add3A_279 = arith.addf %get3A_274, %get3A_278 : vector<16xf32>
        %swap3A_280 = arith.index_cast %scan3A_184 : i32 to index
        %swap3A_281 = arith.constant 32 : index
        %swap3A_282 = tpu.vector_load %arg16[%swap3A_280, %swap3A_281] {strides = array<i32>} : memref<40x128xf32, #tpu.memory_space<vmem>>, vector<1x16xf32>,
        %swap3A_283 = vector.shape_cast %swap3A_282 : vector<1x16xf32> to vector<16xf32>
        %swap3A_284 = vector.shape_cast %add3A_279 : vector<16xf32> to vector<1x16xf32>
        tpu.vector_store %arg16[%swap3A_280, %swap3A_281], %swap3A_284 {strides = array<i32>} : memref<40x128xf32, #tpu.memory_space<vmem>>, vector<1x16xf32>,
        %get3A_285 = arith.index_cast %scan3A_184 : i32 to index
        %get3A_286 = arith.constant 48 : index
        %get3A_287 = tpu.vector_load %arg15[%get3A_285, %get3A_286] {strides = array<i32>} : memref<40x128xf32, #tpu.memory_space<vmem>>, vector<1x16xf32>,
        %get3A_288 = vector.shape_cast %get3A_287 : vector<1x16xf32> to vector<16xf32>
        %get3A_289 = arith.index_cast %scan3A_184 : i32 to index
        %get3A_290 = arith.constant 48 : index
        %get3A_291 = tpu.vector_load %arg16[%get3A_289, %get3A_290] {strides = array<i32>} : memref<40x128xf32, #tpu.memory_space<vmem>>, vector<1x16xf32>,
        %get3A_292 = vector.shape_cast %get3A_291 : vector<1x16xf32> to vector<16xf32>
        %neg3A_293 = arith.constant 0.000000e+00 : f32
        %neg3A_294 = vector.broadcast %neg3A_293 : f32 to vector<16xf32>
        %neg3A_295 = arith.subf %neg3A_294, %get3A_288 : vector<16xf32>
        %exp3A_296 = math.exp %neg3A_295 : vector<16xf32>
        %add3A_297 = arith.constant 1.000000e+00 : f32
        %add3A_298 = vector.broadcast %add3A_297 : f32 to vector<16xf32>
        %add3A_299 = arith.addf %add3A_298, %exp3A_296 : vector<16xf32>
        %div3A_300 = arith.divf %get3A_292, %add3A_299 : vector<16xf32>
        %swap3A_301 = arith.index_cast %scan3A_184 : i32 to index
        %swap3A_302 = arith.constant 48 : index
        %swap3A_303 = tpu.vector_load %arg15[%swap3A_301, %swap3A_302] {strides = array<i32>} : memref<40x128xf32, #tpu.memory_space<vmem>>, vector<1x16xf32>,
        %swap3A_304 = vector.shape_cast %swap3A_303 : vector<1x16xf32> to vector<16xf32>
        %swap3A_305 = vector.shape_cast %div3A_300 : vector<16xf32> to vector<1x16xf32>
        tpu.vector_store %arg15[%swap3A_301, %swap3A_302], %swap3A_305 {strides = array<i32>} : memref<40x128xf32, #tpu.memory_space<vmem>>, vector<1x16xf32>,
        %get3A_306 = arith.index_cast %scan3A_184 : i32 to index
        %get3A_307 = arith.constant 48 : index
        %get3A_308 = tpu.vector_load %arg17[%get3A_306, %get3A_307] {strides = array<i32>} : memref<40x128xf32, #tpu.memory_space<vmem>>, vector<1x16xf32>,
        %get3A_309 = vector.shape_cast %get3A_308 : vector<1x16xf32> to vector<16xf32>
        %get3A_310 = arith.index_cast %scan3A_184 : i32 to index
        %get3A_311 = arith.constant 48 : index
        %get3A_312 = tpu.vector_load %arg18[%get3A_310, %get3A_311] {strides = array<i32>} : memref<40x128xf32, #tpu.memory_space<vmem>>, vector<1x16xf32>,
        %get3A_313 = vector.shape_cast %get3A_312 : vector<1x16xf32> to vector<16xf32>
        %add3A_314 = arith.addf %get3A_309, %get3A_313 : vector<16xf32>
        %swap3A_315 = arith.index_cast %scan3A_184 : i32 to index
        %swap3A_316 = arith.constant 48 : index
        %swap3A_317 = tpu.vector_load %arg16[%swap3A_315, %swap3A_316] {strides = array<i32>} : memref<40x128xf32, #tpu.memory_space<vmem>>, vector<1x16xf32>,
        %swap3A_318 = vector.shape_cast %swap3A_317 : vector<1x16xf32> to vector<16xf32>
        %swap3A_319 = vector.shape_cast %add3A_314 : vector<16xf32> to vector<1x16xf32>
        tpu.vector_store %arg16[%swap3A_315, %swap3A_316], %swap3A_319 {strides = array<i32>} : memref<40x128xf32, #tpu.memory_space<vmem>>, vector<1x16xf32>,
        %get3A_320 = arith.index_cast %scan3A_184 : i32 to index
        %get3A_321 = arith.constant 64 : index
        %get3A_322 = tpu.vector_load %arg15[%get3A_320, %get3A_321] {strides = array<i32>} : memref<40x128xf32, #tpu.memory_space<vmem>>, vector<1x16xf32>,
        %get3A_323 = vector.shape_cast %get3A_322 : vector<1x16xf32> to vector<16xf32>
        %get3A_324 = arith.index_cast %scan3A_184 : i32 to index
        %get3A_325 = arith.constant 64 : index
        %get3A_326 = tpu.vector_load %arg16[%get3A_324, %get3A_325] {strides = array<i32>} : memref<40x128xf32, #tpu.memory_space<vmem>>, vector<1x16xf32>,
        %get3A_327 = vector.shape_cast %get3A_326 : vector<1x16xf32> to vector<16xf32>
        %neg3A_328 = arith.constant 0.000000e+00 : f32
        %neg3A_329 = vector.broadcast %neg3A_328 : f32 to vector<16xf32>
        %neg3A_330 = arith.subf %neg3A_329, %get3A_323 : vector<16xf32>
        %exp3A_331 = math.exp %neg3A_330 : vector<16xf32>
        %add3A_332 = arith.constant 1.000000e+00 : f32
        %add3A_333 = vector.broadcast %add3A_332 : f32 to vector<16xf32>
        %add3A_334 = arith.addf %add3A_333, %exp3A_331 : vector<16xf32>
        %div3A_335 = arith.divf %get3A_327, %add3A_334 : vector<16xf32>
        %swap3A_336 = arith.index_cast %scan3A_184 : i32 to index
        %swap3A_337 = arith.constant 64 : index
        %swap3A_338 = tpu.vector_load %arg15[%swap3A_336, %swap3A_337] {strides = array<i32>} : memref<40x128xf32, #tpu.memory_space<vmem>>, vector<1x16xf32>,
        %swap3A_339 = vector.shape_cast %swap3A_338 : vector<1x16xf32> to vector<16xf32>
        %swap3A_340 = vector.shape_cast %div3A_335 : vector<16xf32> to vector<1x16xf32>
        tpu.vector_store %arg15[%swap3A_336, %swap3A_337], %swap3A_340 {strides = array<i32>} : memref<40x128xf32, #tpu.memory_space<vmem>>, vector<1x16xf32>,
        %get3A_341 = arith.index_cast %scan3A_184 : i32 to index
        %get3A_342 = arith.constant 64 : index
        %get3A_343 = tpu.vector_load %arg17[%get3A_341, %get3A_342] {strides = array<i32>} : memref<40x128xf32, #tpu.memory_space<vmem>>, vector<1x16xf32>,
        %get3A_344 = vector.shape_cast %get3A_343 : vector<1x16xf32> to vector<16xf32>
        %get3A_345 = arith.index_cast %scan3A_184 : i32 to index
        %get3A_346 = arith.constant 64 : index
        %get3A_347 = tpu.vector_load %arg18[%get3A_345, %get3A_346] {strides = array<i32>} : memref<40x128xf32, #tpu.memory_space<vmem>>, vector<1x16xf32>,
        %get3A_348 = vector.shape_cast %get3A_347 : vector<1x16xf32> to vector<16xf32>
        %add3A_349 = arith.addf %get3A_344, %get3A_348 : vector<16xf32>
        %swap3A_350 = arith.index_cast %scan3A_184 : i32 to index
        %swap3A_351 = arith.constant 64 : index
        %swap3A_352 = tpu.vector_load %arg16[%swap3A_350, %swap3A_351] {strides = array<i32>} : memref<40x128xf32, #tpu.memory_space<vmem>>, vector<1x16xf32>,
        %swap3A_353 = vector.shape_cast %swap3A_352 : vector<1x16xf32> to vector<16xf32>
        %swap3A_354 = vector.shape_cast %add3A_349 : vector<16xf32> to vector<1x16xf32>
        tpu.vector_store %arg16[%swap3A_350, %swap3A_351], %swap3A_354 {strides = array<i32>} : memref<40x128xf32, #tpu.memory_space<vmem>>, vector<1x16xf32>,
        %get3A_355 = arith.index_cast %scan3A_184 : i32 to index
        %get3A_356 = arith.constant 80 : index
        %get3A_357 = tpu.vector_load %arg15[%get3A_355, %get3A_356] {strides = array<i32>} : memref<40x128xf32, #tpu.memory_space<vmem>>, vector<1x16xf32>,
        %get3A_358 = vector.shape_cast %get3A_357 : vector<1x16xf32> to vector<16xf32>
        %get3A_359 = arith.index_cast %scan3A_184 : i32 to index
        %get3A_360 = arith.constant 80 : index
        %get3A_361 = tpu.vector_load %arg16[%get3A_359, %get3A_360] {strides = array<i32>} : memref<40x128xf32, #tpu.memory_space<vmem>>, vector<1x16xf32>,
        %get3A_362 = vector.shape_cast %get3A_361 : vector<1x16xf32> to vector<16xf32>
        %neg3A_363 = arith.constant 0.000000e+00 : f32
        %neg3A_364 = vector.broadcast %neg3A_363 : f32 to vector<16xf32>
        %neg3A_365 = arith.subf %neg3A_364, %get3A_358 : vector<16xf32>
        %exp3A_366 = math.exp %neg3A_365 : vector<16xf32>
        %add3A_367 = arith.constant 1.000000e+00 : f32
        %add3A_368 = vector.broadcast %add3A_367 : f32 to vector<16xf32>
        %add3A_369 = arith.addf %add3A_368, %exp3A_366 : vector<16xf32>
        %div3A_370 = arith.divf %get3A_362, %add3A_369 : vector<16xf32>
        %swap3A_371 = arith.index_cast %scan3A_184 : i32 to index
        %swap3A_372 = arith.constant 80 : index
        %swap3A_373 = tpu.vector_load %arg15[%swap3A_371, %swap3A_372] {strides = array<i32>} : memref<40x128xf32, #tpu.memory_space<vmem>>, vector<1x16xf32>,
        %swap3A_374 = vector.shape_cast %swap3A_373 : vector<1x16xf32> to vector<16xf32>
        %swap3A_375 = vector.shape_cast %div3A_370 : vector<16xf32> to vector<1x16xf32>
        tpu.vector_store %arg15[%swap3A_371, %swap3A_372], %swap3A_375 {strides = array<i32>} : memref<40x128xf32, #tpu.memory_space<vmem>>, vector<1x16xf32>,
        %get3A_376 = arith.index_cast %scan3A_184 : i32 to index
        %get3A_377 = arith.constant 80 : index
        %get3A_378 = tpu.vector_load %arg17[%get3A_376, %get3A_377] {strides = array<i32>} : memref<40x128xf32, #tpu.memory_space<vmem>>, vector<1x16xf32>,
        %get3A_379 = vector.shape_cast %get3A_378 : vector<1x16xf32> to vector<16xf32>
        %get3A_380 = arith.index_cast %scan3A_184 : i32 to index
        %get3A_381 = arith.constant 80 : index
        %get3A_382 = tpu.vector_load %arg18[%get3A_380, %get3A_381] {strides = array<i32>} : memref<40x128xf32, #tpu.memory_space<vmem>>, vector<1x16xf32>,
        %get3A_383 = vector.shape_cast %get3A_382 : vector<1x16xf32> to vector<16xf32>
        %add3A_384 = arith.addf %get3A_379, %get3A_383 : vector<16xf32>
        %swap3A_385 = arith.index_cast %scan3A_184 : i32 to index
        %swap3A_386 = arith.constant 80 : index
        %swap3A_387 = tpu.vector_load %arg16[%swap3A_385, %swap3A_386] {strides = array<i32>} : memref<40x128xf32, #tpu.memory_space<vmem>>, vector<1x16xf32>,
        %swap3A_388 = vector.shape_cast %swap3A_387 : vector<1x16xf32> to vector<16xf32>
        %swap3A_389 = vector.shape_cast %add3A_384 : vector<16xf32> to vector<1x16xf32>
        tpu.vector_store %arg16[%swap3A_385, %swap3A_386], %swap3A_389 {strides = array<i32>} : memref<40x128xf32, #tpu.memory_space<vmem>>, vector<1x16xf32>,
        %get3A_390 = arith.index_cast %scan3A_184 : i32 to index
        %get3A_391 = arith.constant 96 : index
        %get3A_392 = tpu.vector_load %arg15[%get3A_390, %get3A_391] {strides = array<i32>} : memref<40x128xf32, #tpu.memory_space<vmem>>, vector<1x16xf32>,
        %get3A_393 = vector.shape_cast %get3A_392 : vector<1x16xf32> to vector<16xf32>
        %get3A_394 = arith.index_cast %scan3A_184 : i32 to index
        %get3A_395 = arith.constant 96 : index
        %get3A_396 = tpu.vector_load %arg16[%get3A_394, %get3A_395] {strides = array<i32>} : memref<40x128xf32, #tpu.memory_space<vmem>>, vector<1x16xf32>,
        %get3A_397 = vector.shape_cast %get3A_396 : vector<1x16xf32> to vector<16xf32>
        %neg3A_398 = arith.constant 0.000000e+00 : f32
        %neg3A_399 = vector.broadcast %neg3A_398 : f32 to vector<16xf32>
        %neg3A_400 = arith.subf %neg3A_399, %get3A_393 : vector<16xf32>
        %exp3A_401 = math.exp %neg3A_400 : vector<16xf32>
        %add3A_402 = arith.constant 1.000000e+00 : f32
        %add3A_403 = vector.broadcast %add3A_402 : f32 to vector<16xf32>
        %add3A_404 = arith.addf %add3A_403, %exp3A_401 : vector<16xf32>
        %div3A_405 = arith.divf %get3A_397, %add3A_404 : vector<16xf32>
        %swap3A_406 = arith.index_cast %scan3A_184 : i32 to index
        %swap3A_407 = arith.constant 96 : index
        %swap3A_408 = tpu.vector_load %arg15[%swap3A_406, %swap3A_407] {strides = array<i32>} : memref<40x128xf32, #tpu.memory_space<vmem>>, vector<1x16xf32>,
        %swap3A_409 = vector.shape_cast %swap3A_408 : vector<1x16xf32> to vector<16xf32>
        %swap3A_410 = vector.shape_cast %div3A_405 : vector<16xf32> to vector<1x16xf32>
        tpu.vector_store %arg15[%swap3A_406, %swap3A_407], %swap3A_410 {strides = array<i32>} : memref<40x128xf32, #tpu.memory_space<vmem>>, vector<1x16xf32>,
        %get3A_411 = arith.index_cast %scan3A_184 : i32 to index
        %get3A_412 = arith.constant 96 : index
        %get3A_413 = tpu.vector_load %arg17[%get3A_411, %get3A_412] {strides = array<i32>} : memref<40x128xf32, #tpu.memory_space<vmem>>, vector<1x16xf32>,
        %get3A_414 = vector.shape_cast %get3A_413 : vector<1x16xf32> to vector<16xf32>
        %get3A_415 = arith.index_cast %scan3A_184 : i32 to index
        %get3A_416 = arith.constant 96 : index
        %get3A_417 = tpu.vector_load %arg18[%get3A_415, %get3A_416] {strides = array<i32>} : memref<40x128xf32, #tpu.memory_space<vmem>>, vector<1x16xf32>,
        %get3A_418 = vector.shape_cast %get3A_417 : vector<1x16xf32> to vector<16xf32>
        %add3A_419 = arith.addf %get3A_414, %get3A_418 : vector<16xf32>
        %swap3A_420 = arith.index_cast %scan3A_184 : i32 to index
        %swap3A_421 = arith.constant 96 : index
        %swap3A_422 = tpu.vector_load %arg16[%swap3A_420, %swap3A_421] {strides = array<i32>} : memref<40x128xf32, #tpu.memory_space<vmem>>, vector<1x16xf32>,
        %swap3A_423 = vector.shape_cast %swap3A_422 : vector<1x16xf32> to vector<16xf32>
        %swap3A_424 = vector.shape_cast %add3A_419 : vector<16xf32> to vector<1x16xf32>
        tpu.vector_store %arg16[%swap3A_420, %swap3A_421], %swap3A_424 {strides = array<i32>} : memref<40x128xf32, #tpu.memory_space<vmem>>, vector<1x16xf32>,
        %get3A_425 = arith.index_cast %scan3A_184 : i32 to index
        %get3A_426 = arith.constant 112 : index
        %get3A_427 = tpu.vector_load %arg15[%get3A_425, %get3A_426] {strides = array<i32>} : memref<40x128xf32, #tpu.memory_space<vmem>>, vector<1x16xf32>,
        %get3A_428 = vector.shape_cast %get3A_427 : vector<1x16xf32> to vector<16xf32>
        %get3A_429 = arith.index_cast %scan3A_184 : i32 to index
        %get3A_430 = arith.constant 112 : index
        %get3A_431 = tpu.vector_load %arg16[%get3A_429, %get3A_430] {strides = array<i32>} : memref<40x128xf32, #tpu.memory_space<vmem>>, vector<1x16xf32>,
        %get3A_432 = vector.shape_cast %get3A_431 : vector<1x16xf32> to vector<16xf32>
        %neg3A_433 = arith.constant 0.000000e+00 : f32
        %neg3A_434 = vector.broadcast %neg3A_433 : f32 to vector<16xf32>
        %neg3A_435 = arith.subf %neg3A_434, %get3A_428 : vector<16xf32>
        %exp3A_436 = math.exp %neg3A_435 : vector<16xf32>
        %add3A_437 = arith.constant 1.000000e+00 : f32
        %add3A_438 = vector.broadcast %add3A_437 : f32 to vector<16xf32>
        %add3A_439 = arith.addf %add3A_438, %exp3A_436 : vector<16xf32>
        %div3A_440 = arith.divf %get3A_432, %add3A_439 : vector<16xf32>
        %swap3A_441 = arith.index_cast %scan3A_184 : i32 to index
        %swap3A_442 = arith.constant 112 : index
        %swap3A_443 = tpu.vector_load %arg15[%swap3A_441, %swap3A_442] {strides = array<i32>} : memref<40x128xf32, #tpu.memory_space<vmem>>, vector<1x16xf32>,
        %swap3A_444 = vector.shape_cast %swap3A_443 : vector<1x16xf32> to vector<16xf32>
        %swap3A_445 = vector.shape_cast %div3A_440 : vector<16xf32> to vector<1x16xf32>
        tpu.vector_store %arg15[%swap3A_441, %swap3A_442], %swap3A_445 {strides = array<i32>} : memref<40x128xf32, #tpu.memory_space<vmem>>, vector<1x16xf32>,
        %get3A_446 = arith.index_cast %scan3A_184 : i32 to index
        %get3A_447 = arith.constant 112 : index
        %get3A_448 = tpu.vector_load %arg17[%get3A_446, %get3A_447] {strides = array<i32>} : memref<40x128xf32, #tpu.memory_space<vmem>>, vector<1x16xf32>,
        %get3A_449 = vector.shape_cast %get3A_448 : vector<1x16xf32> to vector<16xf32>
        %get3A_450 = arith.index_cast %scan3A_184 : i32 to index
        %get3A_451 = arith.constant 112 : index
        %get3A_452 = tpu.vector_load %arg18[%get3A_450, %get3A_451] {strides = array<i32>} : memref<40x128xf32, #tpu.memory_space<vmem>>, vector<1x16xf32>,
        %get3A_453 = vector.shape_cast %get3A_452 : vector<1x16xf32> to vector<16xf32>
        %add3A_454 = arith.addf %get3A_449, %get3A_453 : vector<16xf32>
        %swap3A_455 = arith.index_cast %scan3A_184 : i32 to index
        %swap3A_456 = arith.constant 112 : index
        %swap3A_457 = tpu.vector_load %arg16[%swap3A_455, %swap3A_456] {strides = array<i32>} : memref<40x128xf32, #tpu.memory_space<vmem>>, vector<1x16xf32>,
        %swap3A_458 = vector.shape_cast %swap3A_457 : vector<1x16xf32> to vector<16xf32>
        %swap3A_459 = vector.shape_cast %add3A_454 : vector<16xf32> to vector<1x16xf32>
        tpu.vector_store %arg16[%swap3A_455, %swap3A_456], %swap3A_459 {strides = array<i32>} : memref<40x128xf32, #tpu.memory_space<vmem>>, vector<1x16xf32>,
      }
      %scan3A_111 = arith.constant 40 : i32
      %mul3A_112 = arith.constant 40 : i32
      %mul3A_113 = arith.muli %mul3A_60, %mul3A_112 : i32
      %add3A_114 = arith.addi %mul3A_2, %mul3A_113 : i32
      %dma_start3A_115 = arith.constant 0 : i32
      %dma_start3A_116 = tpu.memref_slice %arg9[%add3A_114, %dma_start3A_115] : memref<320000x128xf32, #tpu.memory_space<hbm>> -> memref<40x128xf32, #tpu.memory_space<hbm>>
      %dma_start3A_117 = arith.constant 0 : i32
      %dma_start3A_118 = tpu.memref_slice %arg9[%add3A_114, %dma_start3A_117] : memref<320000x128xf32, #tpu.memory_space<hbm>> -> memref<40x128xf32, #tpu.memory_space<hbm>>
      tpu.enqueue_dma source(%arg16 : memref<40x128xf32, #tpu.memory_space<vmem>>) target(%dma_start3A_118 : memref<40x128xf32, #tpu.memory_space<hbm>>) target_semaphore(%arg28 : memref<!tpu.dma_semaphore, #tpu.memory_space<semaphore_mem>>)
      "tpu.region"() ({
        %run_scoped3A = tpu.sem_alloc : memref<!tpu.dma_semaphore, #tpu.memory_space<semaphore_mem>>
        %dma_start3A_184 = arith.constant 0 : i32
        %dma_start3A_185 = arith.constant 0 : i32
        %dma_start3A_186 = tpu.memref_slice %arg23[%dma_start3A_184, %dma_start3A_185] : memref<10000x128xf32, #tpu.memory_space<vmem_shared>> -> memref<10000x128xf32, #tpu.memory_space<vmem_shared>>
        tpu.enqueue_indirect_dma source(%arg15 : memref<40x128xf32, #tpu.memory_space<vmem>>) target(%dma_start3A_186 : memref<10000x128xf32, #tpu.memory_space<vmem_shared>>) offsets(%arg11 : memref<40xi32, #tpu.memory_space<vmem>>) semaphore(%run_scoped3A : memref<!tpu.dma_semaphore, #tpu.memory_space<semaphore_mem>>) {add = true}
        %dma_wait3A_187 = arith.constant 0 : i32
        %dma_wait3A_188 = arith.constant 0 : i32
        %dma_wait3A_189 = tpu.memref_slice %arg23[%dma_wait3A_187, %dma_wait3A_188] : memref<10000x128xf32, #tpu.memory_space<vmem_shared>> -> memref<10000x128xf32, #tpu.memory_space<vmem_shared>>
        tpu.wait_indirect_dma semaphore(%run_scoped3A : memref<!tpu.dma_semaphore, #tpu.memory_space<semaphore_mem>>) src(%arg15 : memref<40x128xf32, #tpu.memory_space<vmem>>) dst(%dma_wait3A_189 : memref<10000x128xf32, #tpu.memory_space<vmem_shared>>)
        tpu.yield
      }) : () -> ()
      %add3A_119 = arith.constant 2 : i32
      %add3A_120 = arith.addi %mul3A_60, %add3A_119 : i32
      %mul3A_121 = arith.constant 40 : i32
      %mul3A_122 = arith.muli %add3A_120, %mul3A_121 : i32
      %add3A_123 = arith.addi %mul3A_2, %mul3A_122 : i32
      %dma_start3A_124 = tpu.memref_slice %arg3[%add3A_123] : memref<320080xi32, #tpu.memory_space<hbm>> -> memref<40xi32, #tpu.memory_space<hbm>>
      %dma_start3A_125 = tpu.memref_slice %arg3[%add3A_123] : memref<320080xi32, #tpu.memory_space<hbm>> -> memref<40xi32, #tpu.memory_space<hbm>>
      tpu.enqueue_dma source(%dma_start3A_125 : memref<40xi32, #tpu.memory_space<hbm>>) target(%arg11 : memref<40xi32, #tpu.memory_space<vmem>>) target_semaphore(%arg26 : memref<!tpu.dma_semaphore, #tpu.memory_space<semaphore_mem>>)
      %dma_start3A_126 = tpu.memref_slice %arg4[%add3A_123] : memref<320080xi32, #tpu.memory_space<hbm>> -> memref<40xi32, #tpu.memory_space<hbm>>
      %dma_start3A_127 = tpu.memref_slice %arg4[%add3A_123] : memref<320080xi32, #tpu.memory_space<hbm>> -> memref<40xi32, #tpu.memory_space<hbm>>
      tpu.enqueue_dma source(%dma_start3A_127 : memref<40xi32, #tpu.memory_space<hbm>>) target(%arg12 : memref<40xi32, #tpu.memory_space<vmem>>) target_semaphore(%arg26 : memref<!tpu.dma_semaphore, #tpu.memory_space<semaphore_mem>>)
      %dma_wait3A_128 = arith.constant 0 : i32
      %dma_wait3A_129 = arith.constant 0 : i32
      %dma_wait3A_130 = tpu.memref_slice %arg5[%dma_wait3A_128, %dma_wait3A_129] : memref<10000x128xf32, #tpu.memory_space<hbm>> -> memref<10000x128xf32, #tpu.memory_space<hbm>>
      tpu.wait_indirect_dma semaphore(%arg25 : memref<!tpu.dma_semaphore, #tpu.memory_space<semaphore_mem>>) src(%dma_wait3A_130 : memref<10000x128xf32, #tpu.memory_space<hbm>>) dst(%arg20 : memref<40x128xf32, #tpu.memory_space<vmem>>)
      %dma_wait3A_131 = arith.constant 0 : i32
      %dma_wait3A_132 = arith.constant 0 : i32
      %dma_wait3A_133 = tpu.memref_slice %arg6[%dma_wait3A_131, %dma_wait3A_132] : memref<10000x128xf32, #tpu.memory_space<hbm>> -> memref<10000x128xf32, #tpu.memory_space<hbm>>
      tpu.wait_indirect_dma semaphore(%arg25 : memref<!tpu.dma_semaphore, #tpu.memory_space<semaphore_mem>>) src(%dma_wait3A_133 : memref<10000x128xf32, #tpu.memory_space<hbm>>) dst(%arg21 : memref<40x128xf32, #tpu.memory_space<vmem>>)
      %dma_wait3A_134 = arith.constant 0 : i32
      %dma_wait3A_135 = arith.constant 0 : i32
      %dma_wait3A_136 = tpu.memref_slice %arg7[%dma_wait3A_134, %dma_wait3A_135] : memref<10000x128xf32, #tpu.memory_space<hbm>> -> memref<10000x128xf32, #tpu.memory_space<hbm>>
      tpu.wait_indirect_dma semaphore(%arg25 : memref<!tpu.dma_semaphore, #tpu.memory_space<semaphore_mem>>) src(%dma_wait3A_136 : memref<10000x128xf32, #tpu.memory_space<hbm>>) dst(%arg22 : memref<40x128xf32, #tpu.memory_space<vmem>>)
      %dma_wait3A_137 = arith.constant 0 : i32
      %dma_wait3A_138 = arith.constant 0 : i32
      %dma_wait3A_139 = tpu.memref_slice %arg2[%dma_wait3A_137, %dma_wait3A_138] : memref<320000x128xf32, #tpu.memory_space<hbm>> -> memref<40x128xf32, #tpu.memory_space<hbm>>
      %dma_wait3A_140 = arith.constant 0 : i32
      %dma_wait3A_141 = arith.constant 0 : i32
      %dma_wait3A_142 = tpu.memref_slice %arg2[%dma_wait3A_140, %dma_wait3A_141] : memref<320000x128xf32, #tpu.memory_space<hbm>> -> memref<40x128xf32, #tpu.memory_space<hbm>>
      tpu.wait_dma2 semaphore(%arg25 : memref<!tpu.dma_semaphore, #tpu.memory_space<semaphore_mem>>) src(%dma_wait3A_142 : memref<40x128xf32, #tpu.memory_space<hbm>>) dst(%arg19 : memref<40x128xf32, #tpu.memory_space<vmem>>)
      %dma_wait3A_143 = arith.constant 0 : i32
      %dma_wait3A_144 = tpu.memref_slice %arg3[%dma_wait3A_143] : memref<320080xi32, #tpu.memory_space<hbm>> -> memref<40xi32, #tpu.memory_space<hbm>>
      %dma_wait3A_145 = arith.constant 0 : i32
      %dma_wait3A_146 = tpu.memref_slice %arg3[%dma_wait3A_145] : memref<320080xi32, #tpu.memory_space<hbm>> -> memref<40xi32, #tpu.memory_space<hbm>>
      tpu.wait_dma2 semaphore(%arg26 : memref<!tpu.dma_semaphore, #tpu.memory_space<semaphore_mem>>) src(%dma_wait3A_146 : memref<40xi32, #tpu.memory_space<hbm>>) dst(%arg11 : memref<40xi32, #tpu.memory_space<vmem>>)
      %dma_wait3A_147 = arith.constant 0 : i32
      %dma_wait3A_148 = tpu.memref_slice %arg4[%dma_wait3A_147] : memref<320080xi32, #tpu.memory_space<hbm>> -> memref<40xi32, #tpu.memory_space<hbm>>
      %dma_wait3A_149 = arith.constant 0 : i32
      %dma_wait3A_150 = tpu.memref_slice %arg4[%dma_wait3A_149] : memref<320080xi32, #tpu.memory_space<hbm>> -> memref<40xi32, #tpu.memory_space<hbm>>
      tpu.wait_dma2 semaphore(%arg26 : memref<!tpu.dma_semaphore, #tpu.memory_space<semaphore_mem>>) src(%dma_wait3A_150 : memref<40xi32, #tpu.memory_space<hbm>>) dst(%arg12 : memref<40xi32, #tpu.memory_space<vmem>>)
      %dma_wait3A_151 = arith.constant 0 : i32
      %dma_wait3A_152 = arith.constant 0 : i32
      %dma_wait3A_153 = tpu.memref_slice %arg9[%dma_wait3A_151, %dma_wait3A_152] : memref<320000x128xf32, #tpu.memory_space<hbm>> -> memref<40x128xf32, #tpu.memory_space<hbm>>
      %dma_wait3A_154 = arith.constant 0 : i32
      %dma_wait3A_155 = arith.constant 0 : i32
      %dma_wait3A_156 = tpu.memref_slice %arg9[%dma_wait3A_154, %dma_wait3A_155] : memref<320000x128xf32, #tpu.memory_space<hbm>> -> memref<40x128xf32, #tpu.memory_space<hbm>>
      tpu.wait_dma2 semaphore(%arg28 : memref<!tpu.dma_semaphore, #tpu.memory_space<semaphore_mem>>) src(%arg16 : memref<40x128xf32, #tpu.memory_space<vmem>>) dst(%dma_wait3A_156 : memref<40x128xf32, #tpu.memory_space<hbm>>)
      %lt3A_157 = arith.constant 124 : i32
      %lt3A_158 = arith.cmpi slt, %scan3A_58, %lt3A_157 : i32
      %convert_element_type3A_159 = arith.extui %lt3A_158 : i1 to i32
      %cond3A_160 = arith.constant 0 : i32
      %cond3A_161 = arith.cmpi ne, %convert_element_type3A_159, %cond3A_160 : i32
      scf.if %cond3A_161 {
        %add3A_184 = arith.constant 2 : i32
        %add3A_185 = arith.addi %mul3A_60, %add3A_184 : i32
        %dma_start3A_186 = arith.constant 0 : i32
        %dma_start3A_187 = arith.constant 0 : i32
        %dma_start3A_188 = tpu.memref_slice %arg5[%dma_start3A_186, %dma_start3A_187] : memref<10000x128xf32, #tpu.memory_space<hbm>> -> memref<10000x128xf32, #tpu.memory_space<hbm>>
        tpu.enqueue_indirect_dma source(%dma_start3A_188 : memref<10000x128xf32, #tpu.memory_space<hbm>>) target(%arg16 : memref<40x128xf32, #tpu.memory_space<vmem>>) offsets(%arg12 : memref<40xi32, #tpu.memory_space<vmem>>) semaphore(%arg24 : memref<!tpu.dma_semaphore, #tpu.memory_space<semaphore_mem>>)
        %dma_start3A_189 = arith.constant 0 : i32
        %dma_start3A_190 = arith.constant 0 : i32
        %dma_start3A_191 = tpu.memref_slice %arg6[%dma_start3A_189, %dma_start3A_190] : memref<10000x128xf32, #tpu.memory_space<hbm>> -> memref<10000x128xf32, #tpu.memory_space<hbm>>
        tpu.enqueue_indirect_dma source(%dma_start3A_191 : memref<10000x128xf32, #tpu.memory_space<hbm>>) target(%arg17 : memref<40x128xf32, #tpu.memory_space<vmem>>) offsets(%arg11 : memref<40xi32, #tpu.memory_space<vmem>>) semaphore(%arg24 : memref<!tpu.dma_semaphore, #tpu.memory_space<semaphore_mem>>)
        %dma_start3A_192 = arith.constant 0 : i32
        %dma_start3A_193 = arith.constant 0 : i32
        %dma_start3A_194 = tpu.memref_slice %arg7[%dma_start3A_192, %dma_start3A_193] : memref<10000x128xf32, #tpu.memory_space<hbm>> -> memref<10000x128xf32, #tpu.memory_space<hbm>>
        tpu.enqueue_indirect_dma source(%dma_start3A_194 : memref<10000x128xf32, #tpu.memory_space<hbm>>) target(%arg18 : memref<40x128xf32, #tpu.memory_space<vmem>>) offsets(%arg12 : memref<40xi32, #tpu.memory_space<vmem>>) semaphore(%arg24 : memref<!tpu.dma_semaphore, #tpu.memory_space<semaphore_mem>>)
        %mul3A_195 = arith.constant 40 : i32
        %mul3A_196 = arith.muli %add3A_185, %mul3A_195 : i32
        %add3A_197 = arith.addi %mul3A_2, %mul3A_196 : i32
        %dma_start3A_198 = arith.constant 0 : i32
        %dma_start3A_199 = tpu.memref_slice %arg2[%add3A_197, %dma_start3A_198] : memref<320000x128xf32, #tpu.memory_space<hbm>> -> memref<40x128xf32, #tpu.memory_space<hbm>>
        %dma_start3A_200 = arith.constant 0 : i32
        %dma_start3A_201 = tpu.memref_slice %arg2[%add3A_197, %dma_start3A_200] : memref<320000x128xf32, #tpu.memory_space<hbm>> -> memref<40x128xf32, #tpu.memory_space<hbm>>
        tpu.enqueue_dma source(%dma_start3A_201 : memref<40x128xf32, #tpu.memory_space<hbm>>) target(%arg15 : memref<40x128xf32, #tpu.memory_space<vmem>>) target_semaphore(%arg24 : memref<!tpu.dma_semaphore, #tpu.memory_space<semaphore_mem>>)
      } else {
      }
      %scan3A_162 = arith.constant 0 : i32
      %scan3A_163 = arith.constant 0 : i32
      %scan3A_164 = arith.constant 40 : i32
      %scan3A_165 = arith.addi %scan3A_163, %scan3A_164 : i32
      %scan3A_166 = arith.constant 1 : i32
      scf.for %scan3A_184 = %scan3A_163 to %scan3A_165 step %scan3A_166  : i32 {
        %get3A = arith.index_cast %scan3A_184 : i32 to index
        %get3A_185 = arith.constant 0 : index
        %get3A_186 = tpu.vector_load %arg19[%get3A, %get3A_185] {strides = array<i32>} : memref<40x128xf32, #tpu.memory_space<vmem>>, vector<1x16xf32>,
        %get3A_187 = vector.shape_cast %get3A_186 : vector<1x16xf32> to vector<16xf32>
        %get3A_188 = arith.index_cast %scan3A_184 : i32 to index
        %get3A_189 = arith.constant 0 : index
        %get3A_190 = tpu.vector_load %arg20[%get3A_188, %get3A_189] {strides = array<i32>} : memref<40x128xf32, #tpu.memory_space<vmem>>, vector<1x16xf32>,
        %get3A_191 = vector.shape_cast %get3A_190 : vector<1x16xf32> to vector<16xf32>
        %neg3A = arith.constant 0.000000e+00 : f32
        %neg3A_192 = vector.broadcast %neg3A : f32 to vector<16xf32>
        %neg3A_193 = arith.subf %neg3A_192, %get3A_187 : vector<16xf32>
        %exp3A = math.exp %neg3A_193 : vector<16xf32>
        %add3A_194 = arith.constant 1.000000e+00 : f32
        %add3A_195 = vector.broadcast %add3A_194 : f32 to vector<16xf32>
        %add3A_196 = arith.addf %add3A_195, %exp3A : vector<16xf32>
        %div3A = arith.divf %get3A_191, %add3A_196 : vector<16xf32>
        %swap3A = arith.index_cast %scan3A_184 : i32 to index
        %swap3A_197 = arith.constant 0 : index
        %swap3A_198 = tpu.vector_load %arg19[%swap3A, %swap3A_197] {strides = array<i32>} : memref<40x128xf32, #tpu.memory_space<vmem>>, vector<1x16xf32>,
        %swap3A_199 = vector.shape_cast %swap3A_198 : vector<1x16xf32> to vector<16xf32>
        %swap3A_200 = vector.shape_cast %div3A : vector<16xf32> to vector<1x16xf32>
        tpu.vector_store %arg19[%swap3A, %swap3A_197], %swap3A_200 {strides = array<i32>} : memref<40x128xf32, #tpu.memory_space<vmem>>, vector<1x16xf32>,
        %get3A_201 = arith.index_cast %scan3A_184 : i32 to index
        %get3A_202 = arith.constant 0 : index
        %get3A_203 = tpu.vector_load %arg21[%get3A_201, %get3A_202] {strides = array<i32>} : memref<40x128xf32, #tpu.memory_space<vmem>>, vector<1x16xf32>,
        %get3A_204 = vector.shape_cast %get3A_203 : vector<1x16xf32> to vector<16xf32>
        %get3A_205 = arith.index_cast %scan3A_184 : i32 to index
        %get3A_206 = arith.constant 0 : index
        %get3A_207 = tpu.vector_load %arg22[%get3A_205, %get3A_206] {strides = array<i32>} : memref<40x128xf32, #tpu.memory_space<vmem>>, vector<1x16xf32>,
        %get3A_208 = vector.shape_cast %get3A_207 : vector<1x16xf32> to vector<16xf32>
        %add3A_209 = arith.addf %get3A_204, %get3A_208 : vector<16xf32>
        %swap3A_210 = arith.index_cast %scan3A_184 : i32 to index
        %swap3A_211 = arith.constant 0 : index
        %swap3A_212 = tpu.vector_load %arg20[%swap3A_210, %swap3A_211] {strides = array<i32>} : memref<40x128xf32, #tpu.memory_space<vmem>>, vector<1x16xf32>,
        %swap3A_213 = vector.shape_cast %swap3A_212 : vector<1x16xf32> to vector<16xf32>
        %swap3A_214 = vector.shape_cast %add3A_209 : vector<16xf32> to vector<1x16xf32>
        tpu.vector_store %arg20[%swap3A_210, %swap3A_211], %swap3A_214 {strides = array<i32>} : memref<40x128xf32, #tpu.memory_space<vmem>>, vector<1x16xf32>,
        %get3A_215 = arith.index_cast %scan3A_184 : i32 to index
        %get3A_216 = arith.constant 16 : index
        %get3A_217 = tpu.vector_load %arg19[%get3A_215, %get3A_216] {strides = array<i32>} : memref<40x128xf32, #tpu.memory_space<vmem>>, vector<1x16xf32>,
        %get3A_218 = vector.shape_cast %get3A_217 : vector<1x16xf32> to vector<16xf32>
        %get3A_219 = arith.index_cast %scan3A_184 : i32 to index
        %get3A_220 = arith.constant 16 : index
        %get3A_221 = tpu.vector_load %arg20[%get3A_219, %get3A_220] {strides = array<i32>} : memref<40x128xf32, #tpu.memory_space<vmem>>, vector<1x16xf32>,
        %get3A_222 = vector.shape_cast %get3A_221 : vector<1x16xf32> to vector<16xf32>
        %neg3A_223 = arith.constant 0.000000e+00 : f32
        %neg3A_224 = vector.broadcast %neg3A_223 : f32 to vector<16xf32>
        %neg3A_225 = arith.subf %neg3A_224, %get3A_218 : vector<16xf32>
        %exp3A_226 = math.exp %neg3A_225 : vector<16xf32>
        %add3A_227 = arith.constant 1.000000e+00 : f32
        %add3A_228 = vector.broadcast %add3A_227 : f32 to vector<16xf32>
        %add3A_229 = arith.addf %add3A_228, %exp3A_226 : vector<16xf32>
        %div3A_230 = arith.divf %get3A_222, %add3A_229 : vector<16xf32>
        %swap3A_231 = arith.index_cast %scan3A_184 : i32 to index
        %swap3A_232 = arith.constant 16 : index
        %swap3A_233 = tpu.vector_load %arg19[%swap3A_231, %swap3A_232] {strides = array<i32>} : memref<40x128xf32, #tpu.memory_space<vmem>>, vector<1x16xf32>,
        %swap3A_234 = vector.shape_cast %swap3A_233 : vector<1x16xf32> to vector<16xf32>
        %swap3A_235 = vector.shape_cast %div3A_230 : vector<16xf32> to vector<1x16xf32>
        tpu.vector_store %arg19[%swap3A_231, %swap3A_232], %swap3A_235 {strides = array<i32>} : memref<40x128xf32, #tpu.memory_space<vmem>>, vector<1x16xf32>,
        %get3A_236 = arith.index_cast %scan3A_184 : i32 to index
        %get3A_237 = arith.constant 16 : index
        %get3A_238 = tpu.vector_load %arg21[%get3A_236, %get3A_237] {strides = array<i32>} : memref<40x128xf32, #tpu.memory_space<vmem>>, vector<1x16xf32>,
        %get3A_239 = vector.shape_cast %get3A_238 : vector<1x16xf32> to vector<16xf32>
        %get3A_240 = arith.index_cast %scan3A_184 : i32 to index
        %get3A_241 = arith.constant 16 : index
        %get3A_242 = tpu.vector_load %arg22[%get3A_240, %get3A_241] {strides = array<i32>} : memref<40x128xf32, #tpu.memory_space<vmem>>, vector<1x16xf32>,
        %get3A_243 = vector.shape_cast %get3A_242 : vector<1x16xf32> to vector<16xf32>
        %add3A_244 = arith.addf %get3A_239, %get3A_243 : vector<16xf32>
        %swap3A_245 = arith.index_cast %scan3A_184 : i32 to index
        %swap3A_246 = arith.constant 16 : index
        %swap3A_247 = tpu.vector_load %arg20[%swap3A_245, %swap3A_246] {strides = array<i32>} : memref<40x128xf32, #tpu.memory_space<vmem>>, vector<1x16xf32>,
        %swap3A_248 = vector.shape_cast %swap3A_247 : vector<1x16xf32> to vector<16xf32>
        %swap3A_249 = vector.shape_cast %add3A_244 : vector<16xf32> to vector<1x16xf32>
        tpu.vector_store %arg20[%swap3A_245, %swap3A_246], %swap3A_249 {strides = array<i32>} : memref<40x128xf32, #tpu.memory_space<vmem>>, vector<1x16xf32>,
        %get3A_250 = arith.index_cast %scan3A_184 : i32 to index
        %get3A_251 = arith.constant 32 : index
        %get3A_252 = tpu.vector_load %arg19[%get3A_250, %get3A_251] {strides = array<i32>} : memref<40x128xf32, #tpu.memory_space<vmem>>, vector<1x16xf32>,
        %get3A_253 = vector.shape_cast %get3A_252 : vector<1x16xf32> to vector<16xf32>
        %get3A_254 = arith.index_cast %scan3A_184 : i32 to index
        %get3A_255 = arith.constant 32 : index
        %get3A_256 = tpu.vector_load %arg20[%get3A_254, %get3A_255] {strides = array<i32>} : memref<40x128xf32, #tpu.memory_space<vmem>>, vector<1x16xf32>,
        %get3A_257 = vector.shape_cast %get3A_256 : vector<1x16xf32> to vector<16xf32>
        %neg3A_258 = arith.constant 0.000000e+00 : f32
        %neg3A_259 = vector.broadcast %neg3A_258 : f32 to vector<16xf32>
        %neg3A_260 = arith.subf %neg3A_259, %get3A_253 : vector<16xf32>
        %exp3A_261 = math.exp %neg3A_260 : vector<16xf32>
        %add3A_262 = arith.constant 1.000000e+00 : f32
        %add3A_263 = vector.broadcast %add3A_262 : f32 to vector<16xf32>
        %add3A_264 = arith.addf %add3A_263, %exp3A_261 : vector<16xf32>
        %div3A_265 = arith.divf %get3A_257, %add3A_264 : vector<16xf32>
        %swap3A_266 = arith.index_cast %scan3A_184 : i32 to index
        %swap3A_267 = arith.constant 32 : index
        %swap3A_268 = tpu.vector_load %arg19[%swap3A_266, %swap3A_267] {strides = array<i32>} : memref<40x128xf32, #tpu.memory_space<vmem>>, vector<1x16xf32>,
        %swap3A_269 = vector.shape_cast %swap3A_268 : vector<1x16xf32> to vector<16xf32>
        %swap3A_270 = vector.shape_cast %div3A_265 : vector<16xf32> to vector<1x16xf32>
        tpu.vector_store %arg19[%swap3A_266, %swap3A_267], %swap3A_270 {strides = array<i32>} : memref<40x128xf32, #tpu.memory_space<vmem>>, vector<1x16xf32>,
        %get3A_271 = arith.index_cast %scan3A_184 : i32 to index
        %get3A_272 = arith.constant 32 : index
        %get3A_273 = tpu.vector_load %arg21[%get3A_271, %get3A_272] {strides = array<i32>} : memref<40x128xf32, #tpu.memory_space<vmem>>, vector<1x16xf32>,
        %get3A_274 = vector.shape_cast %get3A_273 : vector<1x16xf32> to vector<16xf32>
        %get3A_275 = arith.index_cast %scan3A_184 : i32 to index
        %get3A_276 = arith.constant 32 : index
        %get3A_277 = tpu.vector_load %arg22[%get3A_275, %get3A_276] {strides = array<i32>} : memref<40x128xf32, #tpu.memory_space<vmem>>, vector<1x16xf32>,
        %get3A_278 = vector.shape_cast %get3A_277 : vector<1x16xf32> to vector<16xf32>
        %add3A_279 = arith.addf %get3A_274, %get3A_278 : vector<16xf32>
        %swap3A_280 = arith.index_cast %scan3A_184 : i32 to index
        %swap3A_281 = arith.constant 32 : index
        %swap3A_282 = tpu.vector_load %arg20[%swap3A_280, %swap3A_281] {strides = array<i32>} : memref<40x128xf32, #tpu.memory_space<vmem>>, vector<1x16xf32>,
        %swap3A_283 = vector.shape_cast %swap3A_282 : vector<1x16xf32> to vector<16xf32>
        %swap3A_284 = vector.shape_cast %add3A_279 : vector<16xf32> to vector<1x16xf32>
        tpu.vector_store %arg20[%swap3A_280, %swap3A_281], %swap3A_284 {strides = array<i32>} : memref<40x128xf32, #tpu.memory_space<vmem>>, vector<1x16xf32>,
        %get3A_285 = arith.index_cast %scan3A_184 : i32 to index
        %get3A_286 = arith.constant 48 : index
        %get3A_287 = tpu.vector_load %arg19[%get3A_285, %get3A_286] {strides = array<i32>} : memref<40x128xf32, #tpu.memory_space<vmem>>, vector<1x16xf32>,
        %get3A_288 = vector.shape_cast %get3A_287 : vector<1x16xf32> to vector<16xf32>
        %get3A_289 = arith.index_cast %scan3A_184 : i32 to index
        %get3A_290 = arith.constant 48 : index
        %get3A_291 = tpu.vector_load %arg20[%get3A_289, %get3A_290] {strides = array<i32>} : memref<40x128xf32, #tpu.memory_space<vmem>>, vector<1x16xf32>,
        %get3A_292 = vector.shape_cast %get3A_291 : vector<1x16xf32> to vector<16xf32>
        %neg3A_293 = arith.constant 0.000000e+00 : f32
        %neg3A_294 = vector.broadcast %neg3A_293 : f32 to vector<16xf32>
        %neg3A_295 = arith.subf %neg3A_294, %get3A_288 : vector<16xf32>
        %exp3A_296 = math.exp %neg3A_295 : vector<16xf32>
        %add3A_297 = arith.constant 1.000000e+00 : f32
        %add3A_298 = vector.broadcast %add3A_297 : f32 to vector<16xf32>
        %add3A_299 = arith.addf %add3A_298, %exp3A_296 : vector<16xf32>
        %div3A_300 = arith.divf %get3A_292, %add3A_299 : vector<16xf32>
        %swap3A_301 = arith.index_cast %scan3A_184 : i32 to index
        %swap3A_302 = arith.constant 48 : index
        %swap3A_303 = tpu.vector_load %arg19[%swap3A_301, %swap3A_302] {strides = array<i32>} : memref<40x128xf32, #tpu.memory_space<vmem>>, vector<1x16xf32>,
        %swap3A_304 = vector.shape_cast %swap3A_303 : vector<1x16xf32> to vector<16xf32>
        %swap3A_305 = vector.shape_cast %div3A_300 : vector<16xf32> to vector<1x16xf32>
        tpu.vector_store %arg19[%swap3A_301, %swap3A_302], %swap3A_305 {strides = array<i32>} : memref<40x128xf32, #tpu.memory_space<vmem>>, vector<1x16xf32>,
        %get3A_306 = arith.index_cast %scan3A_184 : i32 to index
        %get3A_307 = arith.constant 48 : index
        %get3A_308 = tpu.vector_load %arg21[%get3A_306, %get3A_307] {strides = array<i32>} : memref<40x128xf32, #tpu.memory_space<vmem>>, vector<1x16xf32>,
        %get3A_309 = vector.shape_cast %get3A_308 : vector<1x16xf32> to vector<16xf32>
        %get3A_310 = arith.index_cast %scan3A_184 : i32 to index
        %get3A_311 = arith.constant 48 : index
        %get3A_312 = tpu.vector_load %arg22[%get3A_310, %get3A_311] {strides = array<i32>} : memref<40x128xf32, #tpu.memory_space<vmem>>, vector<1x16xf32>,
        %get3A_313 = vector.shape_cast %get3A_312 : vector<1x16xf32> to vector<16xf32>
        %add3A_314 = arith.addf %get3A_309, %get3A_313 : vector<16xf32>
        %swap3A_315 = arith.index_cast %scan3A_184 : i32 to index
        %swap3A_316 = arith.constant 48 : index
        %swap3A_317 = tpu.vector_load %arg20[%swap3A_315, %swap3A_316] {strides = array<i32>} : memref<40x128xf32, #tpu.memory_space<vmem>>, vector<1x16xf32>,
        %swap3A_318 = vector.shape_cast %swap3A_317 : vector<1x16xf32> to vector<16xf32>
        %swap3A_319 = vector.shape_cast %add3A_314 : vector<16xf32> to vector<1x16xf32>
        tpu.vector_store %arg20[%swap3A_315, %swap3A_316], %swap3A_319 {strides = array<i32>} : memref<40x128xf32, #tpu.memory_space<vmem>>, vector<1x16xf32>,
        %get3A_320 = arith.index_cast %scan3A_184 : i32 to index
        %get3A_321 = arith.constant 64 : index
        %get3A_322 = tpu.vector_load %arg19[%get3A_320, %get3A_321] {strides = array<i32>} : memref<40x128xf32, #tpu.memory_space<vmem>>, vector<1x16xf32>,
        %get3A_323 = vector.shape_cast %get3A_322 : vector<1x16xf32> to vector<16xf32>
        %get3A_324 = arith.index_cast %scan3A_184 : i32 to index
        %get3A_325 = arith.constant 64 : index
        %get3A_326 = tpu.vector_load %arg20[%get3A_324, %get3A_325] {strides = array<i32>} : memref<40x128xf32, #tpu.memory_space<vmem>>, vector<1x16xf32>,
        %get3A_327 = vector.shape_cast %get3A_326 : vector<1x16xf32> to vector<16xf32>
        %neg3A_328 = arith.constant 0.000000e+00 : f32
        %neg3A_329 = vector.broadcast %neg3A_328 : f32 to vector<16xf32>
        %neg3A_330 = arith.subf %neg3A_329, %get3A_323 : vector<16xf32>
        %exp3A_331 = math.exp %neg3A_330 : vector<16xf32>
        %add3A_332 = arith.constant 1.000000e+00 : f32
        %add3A_333 = vector.broadcast %add3A_332 : f32 to vector<16xf32>
        %add3A_334 = arith.addf %add3A_333, %exp3A_331 : vector<16xf32>
        %div3A_335 = arith.divf %get3A_327, %add3A_334 : vector<16xf32>
        %swap3A_336 = arith.index_cast %scan3A_184 : i32 to index
        %swap3A_337 = arith.constant 64 : index
        %swap3A_338 = tpu.vector_load %arg19[%swap3A_336, %swap3A_337] {strides = array<i32>} : memref<40x128xf32, #tpu.memory_space<vmem>>, vector<1x16xf32>,
        %swap3A_339 = vector.shape_cast %swap3A_338 : vector<1x16xf32> to vector<16xf32>
        %swap3A_340 = vector.shape_cast %div3A_335 : vector<16xf32> to vector<1x16xf32>
        tpu.vector_store %arg19[%swap3A_336, %swap3A_337], %swap3A_340 {strides = array<i32>} : memref<40x128xf32, #tpu.memory_space<vmem>>, vector<1x16xf32>,
        %get3A_341 = arith.index_cast %scan3A_184 : i32 to index
        %get3A_342 = arith.constant 64 : index
        %get3A_343 = tpu.vector_load %arg21[%get3A_341, %get3A_342] {strides = array<i32>} : memref<40x128xf32, #tpu.memory_space<vmem>>, vector<1x16xf32>,
        %get3A_344 = vector.shape_cast %get3A_343 : vector<1x16xf32> to vector<16xf32>
        %get3A_345 = arith.index_cast %scan3A_184 : i32 to index
        %get3A_346 = arith.constant 64 : index
        %get3A_347 = tpu.vector_load %arg22[%get3A_345, %get3A_346] {strides = array<i32>} : memref<40x128xf32, #tpu.memory_space<vmem>>, vector<1x16xf32>,
        %get3A_348 = vector.shape_cast %get3A_347 : vector<1x16xf32> to vector<16xf32>
        %add3A_349 = arith.addf %get3A_344, %get3A_348 : vector<16xf32>
        %swap3A_350 = arith.index_cast %scan3A_184 : i32 to index
        %swap3A_351 = arith.constant 64 : index
        %swap3A_352 = tpu.vector_load %arg20[%swap3A_350, %swap3A_351] {strides = array<i32>} : memref<40x128xf32, #tpu.memory_space<vmem>>, vector<1x16xf32>,
        %swap3A_353 = vector.shape_cast %swap3A_352 : vector<1x16xf32> to vector<16xf32>
        %swap3A_354 = vector.shape_cast %add3A_349 : vector<16xf32> to vector<1x16xf32>
        tpu.vector_store %arg20[%swap3A_350, %swap3A_351], %swap3A_354 {strides = array<i32>} : memref<40x128xf32, #tpu.memory_space<vmem>>, vector<1x16xf32>,
        %get3A_355 = arith.index_cast %scan3A_184 : i32 to index
        %get3A_356 = arith.constant 80 : index
        %get3A_357 = tpu.vector_load %arg19[%get3A_355, %get3A_356] {strides = array<i32>} : memref<40x128xf32, #tpu.memory_space<vmem>>, vector<1x16xf32>,
        %get3A_358 = vector.shape_cast %get3A_357 : vector<1x16xf32> to vector<16xf32>
        %get3A_359 = arith.index_cast %scan3A_184 : i32 to index
        %get3A_360 = arith.constant 80 : index
        %get3A_361 = tpu.vector_load %arg20[%get3A_359, %get3A_360] {strides = array<i32>} : memref<40x128xf32, #tpu.memory_space<vmem>>, vector<1x16xf32>,
        %get3A_362 = vector.shape_cast %get3A_361 : vector<1x16xf32> to vector<16xf32>
        %neg3A_363 = arith.constant 0.000000e+00 : f32
        %neg3A_364 = vector.broadcast %neg3A_363 : f32 to vector<16xf32>
        %neg3A_365 = arith.subf %neg3A_364, %get3A_358 : vector<16xf32>
        %exp3A_366 = math.exp %neg3A_365 : vector<16xf32>
        %add3A_367 = arith.constant 1.000000e+00 : f32
        %add3A_368 = vector.broadcast %add3A_367 : f32 to vector<16xf32>
        %add3A_369 = arith.addf %add3A_368, %exp3A_366 : vector<16xf32>
        %div3A_370 = arith.divf %get3A_362, %add3A_369 : vector<16xf32>
        %swap3A_371 = arith.index_cast %scan3A_184 : i32 to index
        %swap3A_372 = arith.constant 80 : index
        %swap3A_373 = tpu.vector_load %arg19[%swap3A_371, %swap3A_372] {strides = array<i32>} : memref<40x128xf32, #tpu.memory_space<vmem>>, vector<1x16xf32>,
        %swap3A_374 = vector.shape_cast %swap3A_373 : vector<1x16xf32> to vector<16xf32>
        %swap3A_375 = vector.shape_cast %div3A_370 : vector<16xf32> to vector<1x16xf32>
        tpu.vector_store %arg19[%swap3A_371, %swap3A_372], %swap3A_375 {strides = array<i32>} : memref<40x128xf32, #tpu.memory_space<vmem>>, vector<1x16xf32>,
        %get3A_376 = arith.index_cast %scan3A_184 : i32 to index
        %get3A_377 = arith.constant 80 : index
        %get3A_378 = tpu.vector_load %arg21[%get3A_376, %get3A_377] {strides = array<i32>} : memref<40x128xf32, #tpu.memory_space<vmem>>, vector<1x16xf32>,
        %get3A_379 = vector.shape_cast %get3A_378 : vector<1x16xf32> to vector<16xf32>
        %get3A_380 = arith.index_cast %scan3A_184 : i32 to index
        %get3A_381 = arith.constant 80 : index
        %get3A_382 = tpu.vector_load %arg22[%get3A_380, %get3A_381] {strides = array<i32>} : memref<40x128xf32, #tpu.memory_space<vmem>>, vector<1x16xf32>,
        %get3A_383 = vector.shape_cast %get3A_382 : vector<1x16xf32> to vector<16xf32>
        %add3A_384 = arith.addf %get3A_379, %get3A_383 : vector<16xf32>
        %swap3A_385 = arith.index_cast %scan3A_184 : i32 to index
        %swap3A_386 = arith.constant 80 : index
        %swap3A_387 = tpu.vector_load %arg20[%swap3A_385, %swap3A_386] {strides = array<i32>} : memref<40x128xf32, #tpu.memory_space<vmem>>, vector<1x16xf32>,
        %swap3A_388 = vector.shape_cast %swap3A_387 : vector<1x16xf32> to vector<16xf32>
        %swap3A_389 = vector.shape_cast %add3A_384 : vector<16xf32> to vector<1x16xf32>
        tpu.vector_store %arg20[%swap3A_385, %swap3A_386], %swap3A_389 {strides = array<i32>} : memref<40x128xf32, #tpu.memory_space<vmem>>, vector<1x16xf32>,
        %get3A_390 = arith.index_cast %scan3A_184 : i32 to index
        %get3A_391 = arith.constant 96 : index
        %get3A_392 = tpu.vector_load %arg19[%get3A_390, %get3A_391] {strides = array<i32>} : memref<40x128xf32, #tpu.memory_space<vmem>>, vector<1x16xf32>,
        %get3A_393 = vector.shape_cast %get3A_392 : vector<1x16xf32> to vector<16xf32>
        %get3A_394 = arith.index_cast %scan3A_184 : i32 to index
        %get3A_395 = arith.constant 96 : index
        %get3A_396 = tpu.vector_load %arg20[%get3A_394, %get3A_395] {strides = array<i32>} : memref<40x128xf32, #tpu.memory_space<vmem>>, vector<1x16xf32>,
        %get3A_397 = vector.shape_cast %get3A_396 : vector<1x16xf32> to vector<16xf32>
        %neg3A_398 = arith.constant 0.000000e+00 : f32
        %neg3A_399 = vector.broadcast %neg3A_398 : f32 to vector<16xf32>
        %neg3A_400 = arith.subf %neg3A_399, %get3A_393 : vector<16xf32>
        %exp3A_401 = math.exp %neg3A_400 : vector<16xf32>
        %add3A_402 = arith.constant 1.000000e+00 : f32
        %add3A_403 = vector.broadcast %add3A_402 : f32 to vector<16xf32>
        %add3A_404 = arith.addf %add3A_403, %exp3A_401 : vector<16xf32>
        %div3A_405 = arith.divf %get3A_397, %add3A_404 : vector<16xf32>
        %swap3A_406 = arith.index_cast %scan3A_184 : i32 to index
        %swap3A_407 = arith.constant 96 : index
        %swap3A_408 = tpu.vector_load %arg19[%swap3A_406, %swap3A_407] {strides = array<i32>} : memref<40x128xf32, #tpu.memory_space<vmem>>, vector<1x16xf32>,
        %swap3A_409 = vector.shape_cast %swap3A_408 : vector<1x16xf32> to vector<16xf32>
        %swap3A_410 = vector.shape_cast %div3A_405 : vector<16xf32> to vector<1x16xf32>
        tpu.vector_store %arg19[%swap3A_406, %swap3A_407], %swap3A_410 {strides = array<i32>} : memref<40x128xf32, #tpu.memory_space<vmem>>, vector<1x16xf32>,
        %get3A_411 = arith.index_cast %scan3A_184 : i32 to index
        %get3A_412 = arith.constant 96 : index
        %get3A_413 = tpu.vector_load %arg21[%get3A_411, %get3A_412] {strides = array<i32>} : memref<40x128xf32, #tpu.memory_space<vmem>>, vector<1x16xf32>,
        %get3A_414 = vector.shape_cast %get3A_413 : vector<1x16xf32> to vector<16xf32>
        %get3A_415 = arith.index_cast %scan3A_184 : i32 to index
        %get3A_416 = arith.constant 96 : index
        %get3A_417 = tpu.vector_load %arg22[%get3A_415, %get3A_416] {strides = array<i32>} : memref<40x128xf32, #tpu.memory_space<vmem>>, vector<1x16xf32>,
        %get3A_418 = vector.shape_cast %get3A_417 : vector<1x16xf32> to vector<16xf32>
        %add3A_419 = arith.addf %get3A_414, %get3A_418 : vector<16xf32>
        %swap3A_420 = arith.index_cast %scan3A_184 : i32 to index
        %swap3A_421 = arith.constant 96 : index
        %swap3A_422 = tpu.vector_load %arg20[%swap3A_420, %swap3A_421] {strides = array<i32>} : memref<40x128xf32, #tpu.memory_space<vmem>>, vector<1x16xf32>,
        %swap3A_423 = vector.shape_cast %swap3A_422 : vector<1x16xf32> to vector<16xf32>
        %swap3A_424 = vector.shape_cast %add3A_419 : vector<16xf32> to vector<1x16xf32>
        tpu.vector_store %arg20[%swap3A_420, %swap3A_421], %swap3A_424 {strides = array<i32>} : memref<40x128xf32, #tpu.memory_space<vmem>>, vector<1x16xf32>,
        %get3A_425 = arith.index_cast %scan3A_184 : i32 to index
        %get3A_426 = arith.constant 112 : index
        %get3A_427 = tpu.vector_load %arg19[%get3A_425, %get3A_426] {strides = array<i32>} : memref<40x128xf32, #tpu.memory_space<vmem>>, vector<1x16xf32>,
        %get3A_428 = vector.shape_cast %get3A_427 : vector<1x16xf32> to vector<16xf32>
        %get3A_429 = arith.index_cast %scan3A_184 : i32 to index
        %get3A_430 = arith.constant 112 : index
        %get3A_431 = tpu.vector_load %arg20[%get3A_429, %get3A_430] {strides = array<i32>} : memref<40x128xf32, #tpu.memory_space<vmem>>, vector<1x16xf32>,
        %get3A_432 = vector.shape_cast %get3A_431 : vector<1x16xf32> to vector<16xf32>
        %neg3A_433 = arith.constant 0.000000e+00 : f32
        %neg3A_434 = vector.broadcast %neg3A_433 : f32 to vector<16xf32>
        %neg3A_435 = arith.subf %neg3A_434, %get3A_428 : vector<16xf32>
        %exp3A_436 = math.exp %neg3A_435 : vector<16xf32>
        %add3A_437 = arith.constant 1.000000e+00 : f32
        %add3A_438 = vector.broadcast %add3A_437 : f32 to vector<16xf32>
        %add3A_439 = arith.addf %add3A_438, %exp3A_436 : vector<16xf32>
        %div3A_440 = arith.divf %get3A_432, %add3A_439 : vector<16xf32>
        %swap3A_441 = arith.index_cast %scan3A_184 : i32 to index
        %swap3A_442 = arith.constant 112 : index
        %swap3A_443 = tpu.vector_load %arg19[%swap3A_441, %swap3A_442] {strides = array<i32>} : memref<40x128xf32, #tpu.memory_space<vmem>>, vector<1x16xf32>,
        %swap3A_444 = vector.shape_cast %swap3A_443 : vector<1x16xf32> to vector<16xf32>
        %swap3A_445 = vector.shape_cast %div3A_440 : vector<16xf32> to vector<1x16xf32>
        tpu.vector_store %arg19[%swap3A_441, %swap3A_442], %swap3A_445 {strides = array<i32>} : memref<40x128xf32, #tpu.memory_space<vmem>>, vector<1x16xf32>,
        %get3A_446 = arith.index_cast %scan3A_184 : i32 to index
        %get3A_447 = arith.constant 112 : index
        %get3A_448 = tpu.vector_load %arg21[%get3A_446, %get3A_447] {strides = array<i32>} : memref<40x128xf32, #tpu.memory_space<vmem>>, vector<1x16xf32>,
        %get3A_449 = vector.shape_cast %get3A_448 : vector<1x16xf32> to vector<16xf32>
        %get3A_450 = arith.index_cast %scan3A_184 : i32 to index
        %get3A_451 = arith.constant 112 : index
        %get3A_452 = tpu.vector_load %arg22[%get3A_450, %get3A_451] {strides = array<i32>} : memref<40x128xf32, #tpu.memory_space<vmem>>, vector<1x16xf32>,
        %get3A_453 = vector.shape_cast %get3A_452 : vector<1x16xf32> to vector<16xf32>
        %add3A_454 = arith.addf %get3A_449, %get3A_453 : vector<16xf32>
        %swap3A_455 = arith.index_cast %scan3A_184 : i32 to index
        %swap3A_456 = arith.constant 112 : index
        %swap3A_457 = tpu.vector_load %arg20[%swap3A_455, %swap3A_456] {strides = array<i32>} : memref<40x128xf32, #tpu.memory_space<vmem>>, vector<1x16xf32>,
        %swap3A_458 = vector.shape_cast %swap3A_457 : vector<1x16xf32> to vector<16xf32>
        %swap3A_459 = vector.shape_cast %add3A_454 : vector<16xf32> to vector<1x16xf32>
        tpu.vector_store %arg20[%swap3A_455, %swap3A_456], %swap3A_459 {strides = array<i32>} : memref<40x128xf32, #tpu.memory_space<vmem>>, vector<1x16xf32>,
      }
      %scan3A_167 = arith.constant 40 : i32
      %mul3A_168 = arith.constant 40 : i32
      %mul3A_169 = arith.muli %add3A_62, %mul3A_168 : i32
      %add3A_170 = arith.addi %mul3A_2, %mul3A_169 : i32
      %dma_start3A_171 = arith.constant 0 : i32
      %dma_start3A_172 = tpu.memref_slice %arg9[%add3A_170, %dma_start3A_171] : memref<320000x128xf32, #tpu.memory_space<hbm>> -> memref<40x128xf32, #tpu.memory_space<hbm>>
      %dma_start3A_173 = arith.constant 0 : i32
      %dma_start3A_174 = tpu.memref_slice %arg9[%add3A_170, %dma_start3A_173] : memref<320000x128xf32, #tpu.memory_space<hbm>> -> memref<40x128xf32, #tpu.memory_space<hbm>>
      tpu.enqueue_dma source(%arg20 : memref<40x128xf32, #tpu.memory_space<vmem>>) target(%dma_start3A_174 : memref<40x128xf32, #tpu.memory_space<hbm>>) target_semaphore(%arg29 : memref<!tpu.dma_semaphore, #tpu.memory_space<semaphore_mem>>)
      "tpu.region"() ({
        %run_scoped3A = tpu.sem_alloc : memref<!tpu.dma_semaphore, #tpu.memory_space<semaphore_mem>>
        %dma_start3A_184 = arith.constant 0 : i32
        %dma_start3A_185 = arith.constant 0 : i32
        %dma_start3A_186 = tpu.memref_slice %arg23[%dma_start3A_184, %dma_start3A_185] : memref<10000x128xf32, #tpu.memory_space<vmem_shared>> -> memref<10000x128xf32, #tpu.memory_space<vmem_shared>>
        tpu.enqueue_indirect_dma source(%arg19 : memref<40x128xf32, #tpu.memory_space<vmem>>) target(%dma_start3A_186 : memref<10000x128xf32, #tpu.memory_space<vmem_shared>>) offsets(%arg13 : memref<40xi32, #tpu.memory_space<vmem>>) semaphore(%run_scoped3A : memref<!tpu.dma_semaphore, #tpu.memory_space<semaphore_mem>>) {add = true}
        %dma_wait3A_187 = arith.constant 0 : i32
        %dma_wait3A_188 = arith.constant 0 : i32
        %dma_wait3A_189 = tpu.memref_slice %arg23[%dma_wait3A_187, %dma_wait3A_188] : memref<10000x128xf32, #tpu.memory_space<vmem_shared>> -> memref<10000x128xf32, #tpu.memory_space<vmem_shared>>
        tpu.wait_indirect_dma semaphore(%run_scoped3A : memref<!tpu.dma_semaphore, #tpu.memory_space<semaphore_mem>>) src(%arg19 : memref<40x128xf32, #tpu.memory_space<vmem>>) dst(%dma_wait3A_189 : memref<10000x128xf32, #tpu.memory_space<vmem_shared>>)
        tpu.yield
      }) : () -> ()
      %add3A_175 = arith.constant 3 : i32
      %add3A_176 = arith.addi %mul3A_60, %add3A_175 : i32
      %mul3A_177 = arith.constant 40 : i32
      %mul3A_178 = arith.muli %add3A_176, %mul3A_177 : i32
      %add3A_179 = arith.addi %mul3A_2, %mul3A_178 : i32
      %dma_start3A_180 = tpu.memref_slice %arg3[%add3A_179] : memref<320080xi32, #tpu.memory_space<hbm>> -> memref<40xi32, #tpu.memory_space<hbm>>
      %dma_start3A_181 = tpu.memref_slice %arg3[%add3A_179] : memref<320080xi32, #tpu.memory_space<hbm>> -> memref<40xi32, #tpu.memory_space<hbm>>
      tpu.enqueue_dma source(%dma_start3A_181 : memref<40xi32, #tpu.memory_space<hbm>>) target(%arg13 : memref<40xi32, #tpu.memory_space<vmem>>) target_semaphore(%arg27 : memref<!tpu.dma_semaphore, #tpu.memory_space<semaphore_mem>>)
      %dma_start3A_182 = tpu.memref_slice %arg4[%add3A_179] : memref<320080xi32, #tpu.memory_space<hbm>> -> memref<40xi32, #tpu.memory_space<hbm>>
      %dma_start3A_183 = tpu.memref_slice %arg4[%add3A_179] : memref<320080xi32, #tpu.memory_space<hbm>> -> memref<40xi32, #tpu.memory_space<hbm>>
      tpu.enqueue_dma source(%dma_start3A_183 : memref<40xi32, #tpu.memory_space<hbm>>) target(%arg14 : memref<40xi32, #tpu.memory_space<vmem>>) target_semaphore(%arg27 : memref<!tpu.dma_semaphore, #tpu.memory_space<semaphore_mem>>)
    }
    %scan3A_33 = arith.constant 125 : i32
    %dma_wait3A = arith.constant 0 : i32
    %dma_wait3A_34 = tpu.memref_slice %arg3[%dma_wait3A] : memref<320080xi32, #tpu.memory_space<hbm>> -> memref<40xi32, #tpu.memory_space<hbm>>
    %dma_wait3A_35 = arith.constant 0 : i32
    %dma_wait3A_36 = tpu.memref_slice %arg3[%dma_wait3A_35] : memref<320080xi32, #tpu.memory_space<hbm>> -> memref<40xi32, #tpu.memory_space<hbm>>
    tpu.wait_dma2 semaphore(%arg27 : memref<!tpu.dma_semaphore, #tpu.memory_space<semaphore_mem>>) src(%dma_wait3A_36 : memref<40xi32, #tpu.memory_space<hbm>>) dst(%arg13 : memref<40xi32, #tpu.memory_space<vmem>>)
    %dma_wait3A_37 = arith.constant 0 : i32
    %dma_wait3A_38 = tpu.memref_slice %arg4[%dma_wait3A_37] : memref<320080xi32, #tpu.memory_space<hbm>> -> memref<40xi32, #tpu.memory_space<hbm>>
    %dma_wait3A_39 = arith.constant 0 : i32
    %dma_wait3A_40 = tpu.memref_slice %arg4[%dma_wait3A_39] : memref<320080xi32, #tpu.memory_space<hbm>> -> memref<40xi32, #tpu.memory_space<hbm>>
    tpu.wait_dma2 semaphore(%arg27 : memref<!tpu.dma_semaphore, #tpu.memory_space<semaphore_mem>>) src(%dma_wait3A_40 : memref<40xi32, #tpu.memory_space<hbm>>) dst(%arg14 : memref<40xi32, #tpu.memory_space<vmem>>)
    %dma_wait3A_41 = arith.constant 0 : i32
    %dma_wait3A_42 = arith.constant 0 : i32
    %dma_wait3A_43 = tpu.memref_slice %arg9[%dma_wait3A_41, %dma_wait3A_42] : memref<320000x128xf32, #tpu.memory_space<hbm>> -> memref<40x128xf32, #tpu.memory_space<hbm>>
    %dma_wait3A_44 = arith.constant 0 : i32
    %dma_wait3A_45 = arith.constant 0 : i32
    %dma_wait3A_46 = tpu.memref_slice %arg9[%dma_wait3A_44, %dma_wait3A_45] : memref<320000x128xf32, #tpu.memory_space<hbm>> -> memref<40x128xf32, #tpu.memory_space<hbm>>
    tpu.wait_dma2 semaphore(%arg29 : memref<!tpu.dma_semaphore, #tpu.memory_space<semaphore_mem>>) src(%arg20 : memref<40x128xf32, #tpu.memory_space<vmem>>) dst(%dma_wait3A_46 : memref<40x128xf32, #tpu.memory_space<hbm>>)
    %barrier3A_47 = arith.constant 0 : index
    tpu.barrier barrier_id(%barrier3A_47)
    %lt3A_48 = arith.constant 15 : i32
    %lt3A_49 = arith.cmpi slt, %arg1, %lt3A_48 : i32
    %convert_element_type3A_50 = arith.extui %lt3A_49 : i1 to i32
    %cond3A_51 = arith.constant 0 : i32
    %cond3A_52 = arith.cmpi ne, %convert_element_type3A_50, %cond3A_51 : i32
    scf.if %cond3A_52 {
      %mul3A_58 = arith.constant 624 : i32
      %mul3A_59 = arith.muli %arg1, %mul3A_58 : i32
      %mul3A_60 = arith.constant 624 : i32
      %mul3A_61 = arith.muli %arg1, %mul3A_60 : i32
      "tpu.region"() ({
        %run_scoped3A = tpu.sem_alloc : memref<!tpu.dma_semaphore, #tpu.memory_space<semaphore_mem>>
        %dma_start3A_62 = arith.constant 0 : i32
        %dma_start3A_63 = tpu.memref_slice %arg10[%arg0, %mul3A_61, %dma_start3A_62] : memref<2x10000x128xf32, #tpu.memory_space<hbm>> -> memref<1x624x128xf32, #tpu.memory_space<hbm>>
        %dma_start3A_64 = tpu.memref_squeeze %dma_start3A_63 : memref<1x624x128xf32, #tpu.memory_space<hbm>> -> memref<624x128xf32, #tpu.memory_space<hbm>>
        %dma_start3A_65 = arith.constant 0 : i32
        %dma_start3A_66 = tpu.memref_slice %arg23[%mul3A_59, %dma_start3A_65] : memref<10000x128xf32, #tpu.memory_space<vmem_shared>> -> memref<624x128xf32, #tpu.memory_space<vmem_shared>>
        tpu.enqueue_dma source(%dma_start3A_66 : memref<624x128xf32, #tpu.memory_space<vmem_shared>>) target(%dma_start3A_64 : memref<624x128xf32, #tpu.memory_space<hbm>>) target_semaphore(%run_scoped3A : memref<!tpu.dma_semaphore, #tpu.memory_space<semaphore_mem>>)
        %dma_wait3A_67 = arith.constant 0 : i32
        %dma_wait3A_68 = tpu.memref_slice %arg10[%arg0, %mul3A_61, %dma_wait3A_67] : memref<2x10000x128xf32, #tpu.memory_space<hbm>> -> memref<1x624x128xf32, #tpu.memory_space<hbm>>
        %dma_wait3A_69 = tpu.memref_squeeze %dma_wait3A_68 : memref<1x624x128xf32, #tpu.memory_space<hbm>> -> memref<624x128xf32, #tpu.memory_space<hbm>>
        %dma_wait3A_70 = arith.constant 0 : i32
        %dma_wait3A_71 = tpu.memref_slice %arg23[%mul3A_59, %dma_wait3A_70] : memref<10000x128xf32, #tpu.memory_space<vmem_shared>> -> memref<624x128xf32, #tpu.memory_space<vmem_shared>>
        tpu.wait_dma2 semaphore(%run_scoped3A : memref<!tpu.dma_semaphore, #tpu.memory_space<semaphore_mem>>) src(%dma_wait3A_71 : memref<624x128xf32, #tpu.memory_space<vmem_shared>>) dst(%dma_wait3A_69 : memref<624x128xf32, #tpu.memory_space<hbm>>)
        tpu.yield
      }) : () -> ()
    } else {
    }
    %eq3A_53 = arith.constant 15 : i32
    %eq3A_54 = arith.cmpi eq, %arg1, %eq3A_53 : i32
    %convert_element_type3A_55 = arith.extui %eq3A_54 : i1 to i32
    %cond3A_56 = arith.constant 0 : i32
    %cond3A_57 = arith.cmpi ne, %convert_element_type3A_55, %cond3A_56 : i32
    scf.if %cond3A_57 {
      "tpu.region"() ({
        %run_scoped3A = tpu.sem_alloc : memref<!tpu.dma_semaphore, #tpu.memory_space<semaphore_mem>>
        %dma_start3A_58 = arith.constant 9360 : i32
        %dma_start3A_59 = arith.constant 0 : i32
        %dma_start3A_60 = tpu.memref_slice %arg10[%arg0, %dma_start3A_58, %dma_start3A_59] : memref<2x10000x128xf32, #tpu.memory_space<hbm>> -> memref<1x640x128xf32, #tpu.memory_space<hbm>>
        %dma_start3A_61 = tpu.memref_squeeze %dma_start3A_60 : memref<1x640x128xf32, #tpu.memory_space<hbm>> -> memref<640x128xf32, #tpu.memory_space<hbm>>
        %dma_start3A_62 = arith.constant 9360 : i32
        %dma_start3A_63 = arith.constant 0 : i32
        %dma_start3A_64 = tpu.memref_slice %arg23[%dma_start3A_62, %dma_start3A_63] : memref<10000x128xf32, #tpu.memory_space<vmem_shared>> -> memref<640x128xf32, #tpu.memory_space<vmem_shared>>
        tpu.enqueue_dma source(%dma_start3A_64 : memref<640x128xf32, #tpu.memory_space<vmem_shared>>) target(%dma_start3A_61 : memref<640x128xf32, #tpu.memory_space<hbm>>) target_semaphore(%run_scoped3A : memref<!tpu.dma_semaphore, #tpu.memory_space<semaphore_mem>>)
        %dma_wait3A_65 = arith.constant 9360 : i32
        %dma_wait3A_66 = arith.constant 0 : i32
        %dma_wait3A_67 = tpu.memref_slice %arg10[%arg0, %dma_wait3A_65, %dma_wait3A_66] : memref<2x10000x128xf32, #tpu.memory_space<hbm>> -> memref<1x640x128xf32, #tpu.memory_space<hbm>>
        %dma_wait3A_68 = tpu.memref_squeeze %dma_wait3A_67 : memref<1x640x128xf32, #tpu.memory_space<hbm>> -> memref<640x128xf32, #tpu.memory_space<hbm>>
        %dma_wait3A_69 = arith.constant 9360 : i32
        %dma_wait3A_70 = arith.constant 0 : i32
        %dma_wait3A_71 = tpu.memref_slice %arg23[%dma_wait3A_69, %dma_wait3A_70] : memref<10000x128xf32, #tpu.memory_space<vmem_shared>> -> memref<640x128xf32, #tpu.memory_space<vmem_shared>>
        tpu.wait_dma2 semaphore(%run_scoped3A : memref<!tpu.dma_semaphore, #tpu.memory_space<semaphore_mem>>) src(%dma_wait3A_71 : memref<640x128xf32, #tpu.memory_space<vmem_shared>>) dst(%dma_wait3A_68 : memref<640x128xf32, #tpu.memory_space<hbm>>)
        tpu.yield
      }) : () -> ()
    } else {
    }
    return
  }
}

module attributes {stable_mosaic.version = 14 : i64} {
  func.func @_tables_body(%arg0: i32, %arg1: memref<1000x128xf32, #tpu.memory_space<vmem>>, %arg2: memref<128x128xf32, #tpu.memory_space<vmem>>, %arg3: memref<1x128xf32, #tpu.memory_space<vmem>>, %arg4: memref<128x128xf32, #tpu.memory_space<vmem>>, %arg5: memref<1x128xf32, #tpu.memory_space<vmem>>, %arg6: memref<128x128xf32, #tpu.memory_space<vmem>>, %arg7: memref<1x128xf32, #tpu.memory_space<vmem>>, %arg8: memref<128x128xf32, #tpu.memory_space<vmem>>, %arg9: memref<1x128xf32, #tpu.memory_space<vmem>>, %arg10: memref<1000x128xf32, #tpu.memory_space<vmem>>, %arg11: memref<1000x128xf32, #tpu.memory_space<vmem>>, %arg12: memref<1000x128xf32, #tpu.memory_space<vmem>>, %arg13: memref<1000x128xf32, #tpu.memory_space<vmem>>) attributes {dimension_semantics = [#tpu.dimension_semantics<arbitrary>], iteration_bounds = array<i64: 10>, scalar_prefetch = 0 : i64, scratch_operands = 0 : i64, tpu.core_type = #tpu.core_type<tc>, window_params = [{transform_indices = @transform_0, window_bounds = array<i64: 1000, 128>}, {pipeline_mode = #tpu.pipeline_mode<synchronous>, transform_indices = @transform_1, window_bounds = array<i64: 128, 128>}, {pipeline_mode = #tpu.pipeline_mode<synchronous>, transform_indices = @transform_2, window_bounds = array<i64: 1, 128>}, {pipeline_mode = #tpu.pipeline_mode<synchronous>, transform_indices = @transform_3, window_bounds = array<i64: 128, 128>}, {pipeline_mode = #tpu.pipeline_mode<synchronous>, transform_indices = @transform_4, window_bounds = array<i64: 1, 128>}, {pipeline_mode = #tpu.pipeline_mode<synchronous>, transform_indices = @transform_5, window_bounds = array<i64: 128, 128>}, {pipeline_mode = #tpu.pipeline_mode<synchronous>, transform_indices = @transform_6, window_bounds = array<i64: 1, 128>}, {pipeline_mode = #tpu.pipeline_mode<synchronous>, transform_indices = @transform_7, window_bounds = array<i64: 128, 128>}, {pipeline_mode = #tpu.pipeline_mode<synchronous>, transform_indices = @transform_8, window_bounds = array<i64: 1, 128>}, {transform_indices = @transform_9, window_bounds = array<i64: 1000, 128>}, {transform_indices = @transform_10, window_bounds = array<i64: 1000, 128>}, {transform_indices = @transform_11, window_bounds = array<i64: 1000, 128>}, {transform_indices = @transform_12, window_bounds = array<i64: 1000, 128>}]} {
    %get3A = arith.constant 0 : index
    %get3A_0 = arith.constant 0 : index
    %get3A_1 = vector.load %arg1[%get3A, %get3A_0] : memref<1000x128xf32, #tpu.memory_space<vmem>>, vector<1000x128xf32>
    %get3A_2 = arith.constant 0 : index
    %get3A_3 = arith.constant 0 : index
    %get3A_4 = vector.load %arg2[%get3A_2, %get3A_3] : memref<128x128xf32, #tpu.memory_space<vmem>>, vector<128x128xf32>
    %dot_general3A = arith.constant dense<0.000000e+00> : vector<1000x128xf32>
    %dot_general3A_5 = tpu.matmul %get3A_1, %get3A_4, %dot_general3A {dimension_numbers = #tpu.dot_dimension_numbers<[1], [0], [0], [1], [0, 0, 1, 1], [], []>, transpose_lhs_hint = false} : vector<1000x128xf32>, vector<128x128xf32>, vector<1000x128xf32> -> vector<1000x128xf32>
    %get3A_6 = arith.constant 0 : index
    %get3A_7 = arith.constant 0 : index
    %get3A_8 = vector.load %arg3[%get3A_6, %get3A_7] : memref<1x128xf32, #tpu.memory_space<vmem>>, vector<1x128xf32>
    %add3A = vector.broadcast %get3A_8 : vector<1x128xf32> to vector<1000x128xf32>
    %add3A_9 = arith.addf %dot_general3A_5, %add3A : vector<1000x128xf32>
    %swap3A = arith.constant 0 : index
    %swap3A_10 = arith.constant 0 : index
    %swap3A_11 = vector.load %arg10[%swap3A, %swap3A_10] : memref<1000x128xf32, #tpu.memory_space<vmem>>, vector<1000x128xf32>
    tpu.vector_store %arg10[%swap3A, %swap3A_10], %add3A_9 {strides = array<i32>} : memref<1000x128xf32, #tpu.memory_space<vmem>>, vector<1000x128xf32>,
    %get3A_12 = arith.constant 0 : index
    %get3A_13 = arith.constant 0 : index
    %get3A_14 = vector.load %arg4[%get3A_12, %get3A_13] : memref<128x128xf32, #tpu.memory_space<vmem>>, vector<128x128xf32>
    %dot_general3A_15 = arith.constant dense<0.000000e+00> : vector<1000x128xf32>
    %dot_general3A_16 = tpu.matmul %get3A_1, %get3A_14, %dot_general3A_15 {dimension_numbers = #tpu.dot_dimension_numbers<[1], [0], [0], [1], [0, 0, 1, 1], [], []>, transpose_lhs_hint = false} : vector<1000x128xf32>, vector<128x128xf32>, vector<1000x128xf32> -> vector<1000x128xf32>
    %get3A_17 = arith.constant 0 : index
    %get3A_18 = arith.constant 0 : index
    %get3A_19 = vector.load %arg5[%get3A_17, %get3A_18] : memref<1x128xf32, #tpu.memory_space<vmem>>, vector<1x128xf32>
    %add3A_20 = vector.broadcast %get3A_19 : vector<1x128xf32> to vector<1000x128xf32>
    %add3A_21 = arith.addf %dot_general3A_16, %add3A_20 : vector<1000x128xf32>
    %swap3A_22 = arith.constant 0 : index
    %swap3A_23 = arith.constant 0 : index
    %swap3A_24 = vector.load %arg11[%swap3A_22, %swap3A_23] : memref<1000x128xf32, #tpu.memory_space<vmem>>, vector<1000x128xf32>
    tpu.vector_store %arg11[%swap3A_22, %swap3A_23], %add3A_21 {strides = array<i32>} : memref<1000x128xf32, #tpu.memory_space<vmem>>, vector<1000x128xf32>,
    %get3A_25 = arith.constant 0 : index
    %get3A_26 = arith.constant 0 : index
    %get3A_27 = vector.load %arg6[%get3A_25, %get3A_26] : memref<128x128xf32, #tpu.memory_space<vmem>>, vector<128x128xf32>
    %dot_general3A_28 = arith.constant dense<0.000000e+00> : vector<1000x128xf32>
    %dot_general3A_29 = tpu.matmul %get3A_1, %get3A_27, %dot_general3A_28 {dimension_numbers = #tpu.dot_dimension_numbers<[1], [0], [0], [1], [0, 0, 1, 1], [], []>, transpose_lhs_hint = false} : vector<1000x128xf32>, vector<128x128xf32>, vector<1000x128xf32> -> vector<1000x128xf32>
    %get3A_30 = arith.constant 0 : index
    %get3A_31 = arith.constant 0 : index
    %get3A_32 = vector.load %arg7[%get3A_30, %get3A_31] : memref<1x128xf32, #tpu.memory_space<vmem>>, vector<1x128xf32>
    %add3A_33 = vector.broadcast %get3A_32 : vector<1x128xf32> to vector<1000x128xf32>
    %add3A_34 = arith.addf %dot_general3A_29, %add3A_33 : vector<1000x128xf32>
    %swap3A_35 = arith.constant 0 : index
    %swap3A_36 = arith.constant 0 : index
    %swap3A_37 = vector.load %arg12[%swap3A_35, %swap3A_36] : memref<1000x128xf32, #tpu.memory_space<vmem>>, vector<1000x128xf32>
    tpu.vector_store %arg12[%swap3A_35, %swap3A_36], %add3A_34 {strides = array<i32>} : memref<1000x128xf32, #tpu.memory_space<vmem>>, vector<1000x128xf32>,
    %get3A_38 = arith.constant 0 : index
    %get3A_39 = arith.constant 0 : index
    %get3A_40 = vector.load %arg8[%get3A_38, %get3A_39] : memref<128x128xf32, #tpu.memory_space<vmem>>, vector<128x128xf32>
    %dot_general3A_41 = arith.constant dense<0.000000e+00> : vector<1000x128xf32>
    %dot_general3A_42 = tpu.matmul %get3A_1, %get3A_40, %dot_general3A_41 {dimension_numbers = #tpu.dot_dimension_numbers<[1], [0], [0], [1], [0, 0, 1, 1], [], []>, transpose_lhs_hint = false} : vector<1000x128xf32>, vector<128x128xf32>, vector<1000x128xf32> -> vector<1000x128xf32>
    %get3A_43 = arith.constant 0 : index
    %get3A_44 = arith.constant 0 : index
    %get3A_45 = vector.load %arg9[%get3A_43, %get3A_44] : memref<1x128xf32, #tpu.memory_space<vmem>>, vector<1x128xf32>
    %add3A_46 = vector.broadcast %get3A_45 : vector<1x128xf32> to vector<1000x128xf32>
    %add3A_47 = arith.addf %dot_general3A_42, %add3A_46 : vector<1000x128xf32>
    %swap3A_48 = arith.constant 0 : index
    %swap3A_49 = arith.constant 0 : index
    %swap3A_50 = vector.load %arg13[%swap3A_48, %swap3A_49] : memref<1000x128xf32, #tpu.memory_space<vmem>>, vector<1000x128xf32>
    tpu.vector_store %arg13[%swap3A_48, %swap3A_49], %add3A_47 {strides = array<i32>} : memref<1000x128xf32, #tpu.memory_space<vmem>>, vector<1000x128xf32>,
    return
  }
  func.func @transform_0(%arg0: i32) -> (i32, i32) {
    %c0_i32 = arith.constant 0 : i32
    %c0_i32_0 = arith.constant 0 : i32
    return %arg0, %c0_i32 : i32, i32
  }
  func.func @transform_1(%arg0: i32) -> (i32, i32) {
    %c0_i32 = arith.constant 0 : i32
    %c0_i32_0 = arith.constant 0 : i32
    %c0_i32_1 = arith.constant 0 : i32
    return %c0_i32, %c0_i32_0 : i32, i32
  }
  func.func @transform_2(%arg0: i32) -> (i32, i32) {
    %c0_i32 = arith.constant 0 : i32
    %c0_i32_0 = arith.constant 0 : i32
    %c0_i32_1 = arith.constant 0 : i32
    return %c0_i32, %c0_i32_0 : i32, i32
  }
  func.func @transform_3(%arg0: i32) -> (i32, i32) {
    %c0_i32 = arith.constant 0 : i32
    %c0_i32_0 = arith.constant 0 : i32
    %c0_i32_1 = arith.constant 0 : i32
    return %c0_i32, %c0_i32_0 : i32, i32
  }
  func.func @transform_4(%arg0: i32) -> (i32, i32) {
    %c0_i32 = arith.constant 0 : i32
    %c0_i32_0 = arith.constant 0 : i32
    %c0_i32_1 = arith.constant 0 : i32
    return %c0_i32, %c0_i32_0 : i32, i32
  }
  func.func @transform_5(%arg0: i32) -> (i32, i32) {
    %c0_i32 = arith.constant 0 : i32
    %c0_i32_0 = arith.constant 0 : i32
    %c0_i32_1 = arith.constant 0 : i32
    return %c0_i32, %c0_i32_0 : i32, i32
  }
  func.func @transform_6(%arg0: i32) -> (i32, i32) {
    %c0_i32 = arith.constant 0 : i32
    %c0_i32_0 = arith.constant 0 : i32
    %c0_i32_1 = arith.constant 0 : i32
    return %c0_i32, %c0_i32_0 : i32, i32
  }
  func.func @transform_7(%arg0: i32) -> (i32, i32) {
    %c0_i32 = arith.constant 0 : i32
    %c0_i32_0 = arith.constant 0 : i32
    %c0_i32_1 = arith.constant 0 : i32
    return %c0_i32, %c0_i32_0 : i32, i32
  }
  func.func @transform_8(%arg0: i32) -> (i32, i32) {
    %c0_i32 = arith.constant 0 : i32
    %c0_i32_0 = arith.constant 0 : i32
    %c0_i32_1 = arith.constant 0 : i32
    return %c0_i32, %c0_i32_0 : i32, i32
  }
  func.func @transform_9(%arg0: i32) -> (i32, i32) {
    %c0_i32 = arith.constant 0 : i32
    %c0_i32_0 = arith.constant 0 : i32
    return %arg0, %c0_i32 : i32, i32
  }
  func.func @transform_10(%arg0: i32) -> (i32, i32) {
    %c0_i32 = arith.constant 0 : i32
    %c0_i32_0 = arith.constant 0 : i32
    return %arg0, %c0_i32 : i32, i32
  }
  func.func @transform_11(%arg0: i32) -> (i32, i32) {
    %c0_i32 = arith.constant 0 : i32
    %c0_i32_0 = arith.constant 0 : i32
    return %arg0, %c0_i32 : i32, i32
  }
  func.func @transform_12(%arg0: i32) -> (i32, i32) {
    %c0_i32 = arith.constant 0 : i32
    %c0_i32_0 = arith.constant 0 : i32
    return %arg0, %c0_i32 : i32, i32
  }
}

module attributes {stable_mosaic.version = 14 : i64} {
  func.func @_hstats_body(%arg0: i32, %arg1: memref<1000x128xf32, #tpu.memory_space<vmem>>, %arg2: memref<1000x128xf32, #tpu.memory_space<vmem>>, %arg3: memref<1000x128xf32, #tpu.memory_space<vmem>>, %arg4: memref<1x128xf32, #tpu.memory_space<vmem>>, %arg5: memref<1x128xf32, #tpu.memory_space<vmem>>) attributes {dimension_semantics = [#tpu.dimension_semantics<arbitrary>], iteration_bounds = array<i64: 10>, scalar_prefetch = 0 : i64, scratch_operands = 0 : i64, tpu.core_type = #tpu.core_type<tc>, window_params = [{transform_indices = @transform_0, window_bounds = array<i64: 1000, 128>}, {transform_indices = @transform_1, window_bounds = array<i64: 1000, 128>}, {transform_indices = @transform_2, window_bounds = array<i64: 1000, 128>}, {pipeline_mode = #tpu.pipeline_mode<synchronous>, transform_indices = @transform_3, window_bounds = array<i64: 1, 128>}, {pipeline_mode = #tpu.pipeline_mode<synchronous>, transform_indices = @transform_4, window_bounds = array<i64: 1, 128>}]} {
    %get3A = arith.constant 0 : index
    %get3A_0 = arith.constant 0 : index
    %get3A_1 = vector.load %arg1[%get3A, %get3A_0] : memref<1000x128xf32, #tpu.memory_space<vmem>>, vector<1000x128xf32>
    %get3A_2 = arith.constant 0 : index
    %get3A_3 = arith.constant 0 : index
    %get3A_4 = vector.load %arg2[%get3A_2, %get3A_3] : memref<1000x128xf32, #tpu.memory_space<vmem>>, vector<1000x128xf32>
    %add3A = arith.addf %get3A_1, %get3A_4 : vector<1000x128xf32>
    %get3A_5 = arith.constant 0 : index
    %get3A_6 = arith.constant 0 : index
    %get3A_7 = vector.load %arg3[%get3A_5, %get3A_6] : memref<1000x128xf32, #tpu.memory_space<vmem>>, vector<1000x128xf32>
    %add3A_8 = arith.addf %add3A, %get3A_7 : vector<1000x128xf32>
    %eq3A = arith.constant 0 : i32
    %eq3A_9 = arith.cmpi eq, %arg0, %eq3A : i32
    %convert_element_type3A = arith.extui %eq3A_9 : i1 to i32
    %cond3A = arith.constant 0 : i32
    %cond3A_10 = arith.cmpi ne, %convert_element_type3A, %cond3A : i32
    scf.if %cond3A_10 {
      %broadcast_in_dim3A_28 = arith.constant 0.000000e+00 : f32
      %broadcast_in_dim3A_29 = vector.broadcast %broadcast_in_dim3A_28 : f32 to vector<1x128xf32>
      %swap3A_30 = arith.constant 0 : index
      %swap3A_31 = arith.constant 0 : index
      %swap3A_32 = vector.load %arg4[%swap3A_30, %swap3A_31] : memref<1x128xf32, #tpu.memory_space<vmem>>, vector<1x128xf32>
      tpu.vector_store %arg4[%swap3A_30, %swap3A_31], %broadcast_in_dim3A_29 {strides = array<i32>} : memref<1x128xf32, #tpu.memory_space<vmem>>, vector<1x128xf32>,
      %broadcast_in_dim3A_33 = arith.constant 0.000000e+00 : f32
      %broadcast_in_dim3A_34 = vector.broadcast %broadcast_in_dim3A_33 : f32 to vector<1x128xf32>
      %swap3A_35 = arith.constant 0 : index
      %swap3A_36 = arith.constant 0 : index
      %swap3A_37 = vector.load %arg5[%swap3A_35, %swap3A_36] : memref<1x128xf32, #tpu.memory_space<vmem>>, vector<1x128xf32>
      tpu.vector_store %arg5[%swap3A_35, %swap3A_36], %broadcast_in_dim3A_34 {strides = array<i32>} : memref<1x128xf32, #tpu.memory_space<vmem>>, vector<1x128xf32>,
    } else {
    }
    %get3A_11 = arith.constant 0 : index
    %get3A_12 = arith.constant 0 : index
    %get3A_13 = vector.load %arg4[%get3A_11, %get3A_12] : memref<1x128xf32, #tpu.memory_space<vmem>>, vector<1x128xf32>
    %reduce_sum3A = arith.constant dense<0.000000e+00> : vector<128xf32>
    %reduce_sum3A_14 = vector.multi_reduction <add>, %add3A_8, %reduce_sum3A [0] : vector<1000x128xf32> to vector<128xf32>
    %broadcast_in_dim3A = vector.shape_cast %reduce_sum3A_14 : vector<128xf32> to vector<1x128xf32>
    %add3A_15 = arith.addf %get3A_13, %broadcast_in_dim3A : vector<1x128xf32>
    %swap3A = arith.constant 0 : index
    %swap3A_16 = arith.constant 0 : index
    %swap3A_17 = vector.load %arg4[%swap3A, %swap3A_16] : memref<1x128xf32, #tpu.memory_space<vmem>>, vector<1x128xf32>
    tpu.vector_store %arg4[%swap3A, %swap3A_16], %add3A_15 {strides = array<i32>} : memref<1x128xf32, #tpu.memory_space<vmem>>, vector<1x128xf32>,
    %get3A_18 = arith.constant 0 : index
    %get3A_19 = arith.constant 0 : index
    %get3A_20 = vector.load %arg5[%get3A_18, %get3A_19] : memref<1x128xf32, #tpu.memory_space<vmem>>, vector<1x128xf32>
    %mul3A = arith.mulf %add3A_8, %add3A_8 : vector<1000x128xf32>
    %reduce_sum3A_21 = arith.constant dense<0.000000e+00> : vector<128xf32>
    %reduce_sum3A_22 = vector.multi_reduction <add>, %mul3A, %reduce_sum3A_21 [0] : vector<1000x128xf32> to vector<128xf32>
    %broadcast_in_dim3A_23 = vector.shape_cast %reduce_sum3A_22 : vector<128xf32> to vector<1x128xf32>
    %add3A_24 = arith.addf %get3A_20, %broadcast_in_dim3A_23 : vector<1x128xf32>
    %swap3A_25 = arith.constant 0 : index
    %swap3A_26 = arith.constant 0 : index
    %swap3A_27 = vector.load %arg5[%swap3A_25, %swap3A_26] : memref<1x128xf32, #tpu.memory_space<vmem>>, vector<1x128xf32>
    tpu.vector_store %arg5[%swap3A_25, %swap3A_26], %add3A_24 {strides = array<i32>} : memref<1x128xf32, #tpu.memory_space<vmem>>, vector<1x128xf32>,
    return
  }
  func.func @transform_0(%arg0: i32) -> (i32, i32) {
    %c0_i32 = arith.constant 0 : i32
    %c0_i32_0 = arith.constant 0 : i32
    return %arg0, %c0_i32 : i32, i32
  }
  func.func @transform_1(%arg0: i32) -> (i32, i32) {
    %c0_i32 = arith.constant 0 : i32
    %c0_i32_0 = arith.constant 0 : i32
    return %arg0, %c0_i32 : i32, i32
  }
  func.func @transform_2(%arg0: i32) -> (i32, i32) {
    %c0_i32 = arith.constant 0 : i32
    %c0_i32_0 = arith.constant 0 : i32
    return %arg0, %c0_i32 : i32, i32
  }
  func.func @transform_3(%arg0: i32) -> (i32, i32) {
    %c0_i32 = arith.constant 0 : i32
    %c0_i32_0 = arith.constant 0 : i32
    %c0_i32_1 = arith.constant 0 : i32
    return %c0_i32, %c0_i32_0 : i32, i32
  }
  func.func @transform_4(%arg0: i32) -> (i32, i32) {
    %c0_i32 = arith.constant 0 : i32
    %c0_i32_0 = arith.constant 0 : i32
    %c0_i32_1 = arith.constant 0 : i32
    return %c0_i32, %c0_i32_0 : i32, i32
  }
}

module attributes {stable_mosaic.version = 14 : i64} {
  func.func @_estats_body(%arg0: i32, %arg1: memref<8000x128xf32, #tpu.memory_space<vmem>>, %arg2: memref<128x128xf32, #tpu.memory_space<vmem>>, %arg3: memref<1x128xf32, #tpu.memory_space<vmem>>, %arg4: memref<8000x128xf32, #tpu.memory_space<vmem>>, %arg5: memref<1x128xf32, #tpu.memory_space<vmem>>, %arg6: memref<1x128xf32, #tpu.memory_space<vmem>>) attributes {dimension_semantics = [#tpu.dimension_semantics<arbitrary>], iteration_bounds = array<i64: 40>, scalar_prefetch = 0 : i64, scratch_operands = 0 : i64, tpu.core_type = #tpu.core_type<tc>, window_params = [{transform_indices = @transform_0, window_bounds = array<i64: 8000, 128>}, {pipeline_mode = #tpu.pipeline_mode<synchronous>, transform_indices = @transform_1, window_bounds = array<i64: 128, 128>}, {pipeline_mode = #tpu.pipeline_mode<synchronous>, transform_indices = @transform_2, window_bounds = array<i64: 1, 128>}, {transform_indices = @transform_3, window_bounds = array<i64: 8000, 128>}, {pipeline_mode = #tpu.pipeline_mode<synchronous>, transform_indices = @transform_4, window_bounds = array<i64: 1, 128>}, {pipeline_mode = #tpu.pipeline_mode<synchronous>, transform_indices = @transform_5, window_bounds = array<i64: 1, 128>}]} {
    %get3A = arith.constant 0 : index
    %get3A_0 = arith.constant 0 : index
    %get3A_1 = vector.load %arg1[%get3A, %get3A_0] : memref<8000x128xf32, #tpu.memory_space<vmem>>, vector<8000x128xf32>
    %get3A_2 = arith.constant 0 : index
    %get3A_3 = arith.constant 0 : index
    %get3A_4 = vector.load %arg2[%get3A_2, %get3A_3] : memref<128x128xf32, #tpu.memory_space<vmem>>, vector<128x128xf32>
    %dot_general3A = arith.constant dense<0.000000e+00> : vector<8000x128xf32>
    %dot_general3A_5 = tpu.matmul %get3A_1, %get3A_4, %dot_general3A {dimension_numbers = #tpu.dot_dimension_numbers<[1], [0], [0], [1], [0, 0, 1, 1], [], []>, transpose_lhs_hint = false} : vector<8000x128xf32>, vector<128x128xf32>, vector<8000x128xf32> -> vector<8000x128xf32>
    %get3A_6 = arith.constant 0 : index
    %get3A_7 = arith.constant 0 : index
    %get3A_8 = vector.load %arg3[%get3A_6, %get3A_7] : memref<1x128xf32, #tpu.memory_space<vmem>>, vector<1x128xf32>
    %add3A = vector.broadcast %get3A_8 : vector<1x128xf32> to vector<8000x128xf32>
    %add3A_9 = arith.addf %dot_general3A_5, %add3A : vector<8000x128xf32>
    %get3A_10 = arith.constant 0 : index
    %get3A_11 = arith.constant 0 : index
    %get3A_12 = vector.load %arg4[%get3A_10, %get3A_11] : memref<8000x128xf32, #tpu.memory_space<vmem>>, vector<8000x128xf32>
    %add3A_13 = arith.addf %add3A_9, %get3A_12 : vector<8000x128xf32>
    %eq3A = arith.constant 0 : i32
    %eq3A_14 = arith.cmpi eq, %arg0, %eq3A : i32
    %convert_element_type3A = arith.extui %eq3A_14 : i1 to i32
    %cond3A = arith.constant 0 : i32
    %cond3A_15 = arith.cmpi ne, %convert_element_type3A, %cond3A : i32
    scf.if %cond3A_15 {
      %broadcast_in_dim3A_33 = arith.constant 0.000000e+00 : f32
      %broadcast_in_dim3A_34 = vector.broadcast %broadcast_in_dim3A_33 : f32 to vector<1x128xf32>
      %swap3A_35 = arith.constant 0 : index
      %swap3A_36 = arith.constant 0 : index
      %swap3A_37 = vector.load %arg5[%swap3A_35, %swap3A_36] : memref<1x128xf32, #tpu.memory_space<vmem>>, vector<1x128xf32>
      tpu.vector_store %arg5[%swap3A_35, %swap3A_36], %broadcast_in_dim3A_34 {strides = array<i32>} : memref<1x128xf32, #tpu.memory_space<vmem>>, vector<1x128xf32>,
      %broadcast_in_dim3A_38 = arith.constant 0.000000e+00 : f32
      %broadcast_in_dim3A_39 = vector.broadcast %broadcast_in_dim3A_38 : f32 to vector<1x128xf32>
      %swap3A_40 = arith.constant 0 : index
      %swap3A_41 = arith.constant 0 : index
      %swap3A_42 = vector.load %arg6[%swap3A_40, %swap3A_41] : memref<1x128xf32, #tpu.memory_space<vmem>>, vector<1x128xf32>
      tpu.vector_store %arg6[%swap3A_40, %swap3A_41], %broadcast_in_dim3A_39 {strides = array<i32>} : memref<1x128xf32, #tpu.memory_space<vmem>>, vector<1x128xf32>,
    } else {
    }
    %get3A_16 = arith.constant 0 : index
    %get3A_17 = arith.constant 0 : index
    %get3A_18 = vector.load %arg5[%get3A_16, %get3A_17] : memref<1x128xf32, #tpu.memory_space<vmem>>, vector<1x128xf32>
    %reduce_sum3A = arith.constant dense<0.000000e+00> : vector<128xf32>
    %reduce_sum3A_19 = vector.multi_reduction <add>, %add3A_13, %reduce_sum3A [0] : vector<8000x128xf32> to vector<128xf32>
    %broadcast_in_dim3A = vector.shape_cast %reduce_sum3A_19 : vector<128xf32> to vector<1x128xf32>
    %add3A_20 = arith.addf %get3A_18, %broadcast_in_dim3A : vector<1x128xf32>
    %swap3A = arith.constant 0 : index
    %swap3A_21 = arith.constant 0 : index
    %swap3A_22 = vector.load %arg5[%swap3A, %swap3A_21] : memref<1x128xf32, #tpu.memory_space<vmem>>, vector<1x128xf32>
    tpu.vector_store %arg5[%swap3A, %swap3A_21], %add3A_20 {strides = array<i32>} : memref<1x128xf32, #tpu.memory_space<vmem>>, vector<1x128xf32>,
    %get3A_23 = arith.constant 0 : index
    %get3A_24 = arith.constant 0 : index
    %get3A_25 = vector.load %arg6[%get3A_23, %get3A_24] : memref<1x128xf32, #tpu.memory_space<vmem>>, vector<1x128xf32>
    %mul3A = arith.mulf %add3A_13, %add3A_13 : vector<8000x128xf32>
    %reduce_sum3A_26 = arith.constant dense<0.000000e+00> : vector<128xf32>
    %reduce_sum3A_27 = vector.multi_reduction <add>, %mul3A, %reduce_sum3A_26 [0] : vector<8000x128xf32> to vector<128xf32>
    %broadcast_in_dim3A_28 = vector.shape_cast %reduce_sum3A_27 : vector<128xf32> to vector<1x128xf32>
    %add3A_29 = arith.addf %get3A_25, %broadcast_in_dim3A_28 : vector<1x128xf32>
    %swap3A_30 = arith.constant 0 : index
    %swap3A_31 = arith.constant 0 : index
    %swap3A_32 = vector.load %arg6[%swap3A_30, %swap3A_31] : memref<1x128xf32, #tpu.memory_space<vmem>>, vector<1x128xf32>
    tpu.vector_store %arg6[%swap3A_30, %swap3A_31], %add3A_29 {strides = array<i32>} : memref<1x128xf32, #tpu.memory_space<vmem>>, vector<1x128xf32>,
    return
  }
  func.func @transform_0(%arg0: i32) -> (i32, i32) {
    %c0_i32 = arith.constant 0 : i32
    %c0_i32_0 = arith.constant 0 : i32
    return %arg0, %c0_i32 : i32, i32
  }
  func.func @transform_1(%arg0: i32) -> (i32, i32) {
    %c0_i32 = arith.constant 0 : i32
    %c0_i32_0 = arith.constant 0 : i32
    %c0_i32_1 = arith.constant 0 : i32
    return %c0_i32, %c0_i32_0 : i32, i32
  }
  func.func @transform_2(%arg0: i32) -> (i32, i32) {
    %c0_i32 = arith.constant 0 : i32
    %c0_i32_0 = arith.constant 0 : i32
    %c0_i32_1 = arith.constant 0 : i32
    return %c0_i32, %c0_i32_0 : i32, i32
  }
  func.func @transform_3(%arg0: i32) -> (i32, i32) {
    %c0_i32 = arith.constant 0 : i32
    %c0_i32_0 = arith.constant 0 : i32
    return %arg0, %c0_i32 : i32, i32
  }
  func.func @transform_4(%arg0: i32) -> (i32, i32) {
    %c0_i32 = arith.constant 0 : i32
    %c0_i32_0 = arith.constant 0 : i32
    %c0_i32_1 = arith.constant 0 : i32
    return %c0_i32, %c0_i32_0 : i32, i32
  }
  func.func @transform_5(%arg0: i32) -> (i32, i32) {
    %c0_i32 = arith.constant 0 : i32
    %c0_i32_0 = arith.constant 0 : i32
    %c0_i32_1 = arith.constant 0 : i32
    return %c0_i32, %c0_i32_0 : i32, i32
  }
}

module attributes {stable_mosaic.version = 14 : i64} {
  func.func @_hout_body(%arg0: i32, %arg1: memref<1000x128xf32, #tpu.memory_space<vmem>>, %arg2: memref<1000x128xf32, #tpu.memory_space<vmem>>, %arg3: memref<1000x128xf32, #tpu.memory_space<vmem>>, %arg4: memref<1000x128xf32, #tpu.memory_space<vmem>>, %arg5: memref<1x128xf32, #tpu.memory_space<vmem>>, %arg6: memref<1x128xf32, #tpu.memory_space<vmem>>, %arg7: memref<1x128xf32, #tpu.memory_space<vmem>>, %arg8: memref<1x128xf32, #tpu.memory_space<vmem>>, %arg9: memref<1000x128xf32, #tpu.memory_space<vmem>>) attributes {dimension_semantics = [#tpu.dimension_semantics<arbitrary>], iteration_bounds = array<i64: 10>, scalar_prefetch = 0 : i64, scratch_operands = 0 : i64, tpu.core_type = #tpu.core_type<tc>, window_params = [{transform_indices = @transform_0, window_bounds = array<i64: 1000, 128>}, {transform_indices = @transform_1, window_bounds = array<i64: 1000, 128>}, {transform_indices = @transform_2, window_bounds = array<i64: 1000, 128>}, {transform_indices = @transform_3, window_bounds = array<i64: 1000, 128>}, {pipeline_mode = #tpu.pipeline_mode<synchronous>, transform_indices = @transform_4, window_bounds = array<i64: 1, 128>}, {pipeline_mode = #tpu.pipeline_mode<synchronous>, transform_indices = @transform_5, window_bounds = array<i64: 1, 128>}, {pipeline_mode = #tpu.pipeline_mode<synchronous>, transform_indices = @transform_6, window_bounds = array<i64: 1, 128>}, {pipeline_mode = #tpu.pipeline_mode<synchronous>, transform_indices = @transform_7, window_bounds = array<i64: 1, 128>}, {transform_indices = @transform_8, window_bounds = array<i64: 1000, 128>}]} {
    %get3A = arith.constant 0 : index
    %get3A_0 = arith.constant 0 : index
    %get3A_1 = vector.load %arg2[%get3A, %get3A_0] : memref<1000x128xf32, #tpu.memory_space<vmem>>, vector<1000x128xf32>
    %get3A_2 = arith.constant 0 : index
    %get3A_3 = arith.constant 0 : index
    %get3A_4 = vector.load %arg3[%get3A_2, %get3A_3] : memref<1000x128xf32, #tpu.memory_space<vmem>>, vector<1000x128xf32>
    %add3A = arith.addf %get3A_1, %get3A_4 : vector<1000x128xf32>
    %get3A_5 = arith.constant 0 : index
    %get3A_6 = arith.constant 0 : index
    %get3A_7 = vector.load %arg4[%get3A_5, %get3A_6] : memref<1000x128xf32, #tpu.memory_space<vmem>>, vector<1000x128xf32>
    %add3A_8 = arith.addf %add3A, %get3A_7 : vector<1000x128xf32>
    %get3A_9 = arith.constant 0 : index
    %get3A_10 = arith.constant 0 : index
    %get3A_11 = vector.load %arg5[%get3A_9, %get3A_10] : memref<1x128xf32, #tpu.memory_space<vmem>>, vector<1x128xf32>
    %mul3A = arith.constant 9.99999974E-5 : f32
    %mul3A_12 = vector.broadcast %mul3A : f32 to vector<1x128xf32>
    %mul3A_13 = arith.mulf %get3A_11, %mul3A_12 : vector<1x128xf32>
    %get3A_14 = arith.constant 0 : index
    %get3A_15 = arith.constant 0 : index
    %get3A_16 = vector.load %arg6[%get3A_14, %get3A_15] : memref<1x128xf32, #tpu.memory_space<vmem>>, vector<1x128xf32>
    %mul3A_17 = arith.constant 9.99999974E-5 : f32
    %mul3A_18 = vector.broadcast %mul3A_17 : f32 to vector<1x128xf32>
    %mul3A_19 = arith.mulf %get3A_16, %mul3A_18 : vector<1x128xf32>
    %mul3A_20 = arith.mulf %mul3A_13, %mul3A_13 : vector<1x128xf32>
    %sub3A = arith.subf %mul3A_19, %mul3A_20 : vector<1x128xf32>
    %add3A_21 = arith.constant 9.99999974E-6 : f32
    %add3A_22 = vector.broadcast %add3A_21 : f32 to vector<1x128xf32>
    %add3A_23 = arith.addf %sub3A, %add3A_22 : vector<1x128xf32>
    %rsqrt3A = math.rsqrt %add3A_23 : vector<1x128xf32>
    %sub3A_24 = vector.broadcast %mul3A_13 : vector<1x128xf32> to vector<1000x128xf32>
    %sub3A_25 = arith.subf %add3A_8, %sub3A_24 : vector<1000x128xf32>
    %mul3A_26 = vector.broadcast %rsqrt3A : vector<1x128xf32> to vector<1000x128xf32>
    %mul3A_27 = arith.mulf %sub3A_25, %mul3A_26 : vector<1000x128xf32>
    %get3A_28 = arith.constant 0 : index
    %get3A_29 = arith.constant 0 : index
    %get3A_30 = vector.load %arg7[%get3A_28, %get3A_29] : memref<1x128xf32, #tpu.memory_space<vmem>>, vector<1x128xf32>
    %mul3A_31 = vector.broadcast %get3A_30 : vector<1x128xf32> to vector<1000x128xf32>
    %mul3A_32 = arith.mulf %mul3A_27, %mul3A_31 : vector<1000x128xf32>
    %get3A_33 = arith.constant 0 : index
    %get3A_34 = arith.constant 0 : index
    %get3A_35 = vector.load %arg8[%get3A_33, %get3A_34] : memref<1x128xf32, #tpu.memory_space<vmem>>, vector<1x128xf32>
    %add3A_36 = vector.broadcast %get3A_35 : vector<1x128xf32> to vector<1000x128xf32>
    %add3A_37 = arith.addf %mul3A_32, %add3A_36 : vector<1000x128xf32>
    %get3A_38 = arith.constant 0 : index
    %get3A_39 = arith.constant 0 : index
    %get3A_40 = vector.load %arg1[%get3A_38, %get3A_39] : memref<1000x128xf32, #tpu.memory_space<vmem>>, vector<1000x128xf32>
    %max3A = arith.constant 0.000000e+00 : f32
    %max3A_41 = vector.broadcast %max3A : f32 to vector<1000x128xf32>
    %max3A_42 = arith.maximumf %add3A_37, %max3A_41 : vector<1000x128xf32>
    %add3A_43 = arith.addf %get3A_40, %max3A_42 : vector<1000x128xf32>
    %swap3A = arith.constant 0 : index
    %swap3A_44 = arith.constant 0 : index
    %swap3A_45 = vector.load %arg9[%swap3A, %swap3A_44] : memref<1000x128xf32, #tpu.memory_space<vmem>>, vector<1000x128xf32>
    tpu.vector_store %arg9[%swap3A, %swap3A_44], %add3A_43 {strides = array<i32>} : memref<1000x128xf32, #tpu.memory_space<vmem>>, vector<1000x128xf32>,
    return
  }
  func.func @transform_0(%arg0: i32) -> (i32, i32) {
    %c0_i32 = arith.constant 0 : i32
    %c0_i32_0 = arith.constant 0 : i32
    return %arg0, %c0_i32 : i32, i32
  }
  func.func @transform_1(%arg0: i32) -> (i32, i32) {
    %c0_i32 = arith.constant 0 : i32
    %c0_i32_0 = arith.constant 0 : i32
    return %arg0, %c0_i32 : i32, i32
  }
  func.func @transform_2(%arg0: i32) -> (i32, i32) {
    %c0_i32 = arith.constant 0 : i32
    %c0_i32_0 = arith.constant 0 : i32
    return %arg0, %c0_i32 : i32, i32
  }
  func.func @transform_3(%arg0: i32) -> (i32, i32) {
    %c0_i32 = arith.constant 0 : i32
    %c0_i32_0 = arith.constant 0 : i32
    return %arg0, %c0_i32 : i32, i32
  }
  func.func @transform_4(%arg0: i32) -> (i32, i32) {
    %c0_i32 = arith.constant 0 : i32
    %c0_i32_0 = arith.constant 0 : i32
    %c0_i32_1 = arith.constant 0 : i32
    return %c0_i32, %c0_i32_0 : i32, i32
  }
  func.func @transform_5(%arg0: i32) -> (i32, i32) {
    %c0_i32 = arith.constant 0 : i32
    %c0_i32_0 = arith.constant 0 : i32
    %c0_i32_1 = arith.constant 0 : i32
    return %c0_i32, %c0_i32_0 : i32, i32
  }
  func.func @transform_6(%arg0: i32) -> (i32, i32) {
    %c0_i32 = arith.constant 0 : i32
    %c0_i32_0 = arith.constant 0 : i32
    %c0_i32_1 = arith.constant 0 : i32
    return %c0_i32, %c0_i32_0 : i32, i32
  }
  func.func @transform_7(%arg0: i32) -> (i32, i32) {
    %c0_i32 = arith.constant 0 : i32
    %c0_i32_0 = arith.constant 0 : i32
    %c0_i32_1 = arith.constant 0 : i32
    return %c0_i32, %c0_i32_0 : i32, i32
  }
  func.func @transform_8(%arg0: i32) -> (i32, i32) {
    %c0_i32 = arith.constant 0 : i32
    %c0_i32_0 = arith.constant 0 : i32
    return %arg0, %c0_i32 : i32, i32
  }
}

module attributes {stable_mosaic.version = 14 : i64} {
  func.func @_eout_body(%arg0: i32, %arg1: memref<8000x128xf32, #tpu.memory_space<vmem>>, %arg2: memref<128x128xf32, #tpu.memory_space<vmem>>, %arg3: memref<1x128xf32, #tpu.memory_space<vmem>>, %arg4: memref<8000x128xf32, #tpu.memory_space<vmem>>, %arg5: memref<1x128xf32, #tpu.memory_space<vmem>>, %arg6: memref<1x128xf32, #tpu.memory_space<vmem>>, %arg7: memref<1x128xf32, #tpu.memory_space<vmem>>, %arg8: memref<1x128xf32, #tpu.memory_space<vmem>>, %arg9: memref<8000x128xf32, #tpu.memory_space<vmem>>) attributes {dimension_semantics = [#tpu.dimension_semantics<arbitrary>], iteration_bounds = array<i64: 40>, scalar_prefetch = 0 : i64, scratch_operands = 0 : i64, tpu.core_type = #tpu.core_type<tc>, window_params = [{transform_indices = @transform_0, window_bounds = array<i64: 8000, 128>}, {pipeline_mode = #tpu.pipeline_mode<synchronous>, transform_indices = @transform_1, window_bounds = array<i64: 128, 128>}, {pipeline_mode = #tpu.pipeline_mode<synchronous>, transform_indices = @transform_2, window_bounds = array<i64: 1, 128>}, {transform_indices = @transform_3, window_bounds = array<i64: 8000, 128>}, {pipeline_mode = #tpu.pipeline_mode<synchronous>, transform_indices = @transform_4, window_bounds = array<i64: 1, 128>}, {pipeline_mode = #tpu.pipeline_mode<synchronous>, transform_indices = @transform_5, window_bounds = array<i64: 1, 128>}, {pipeline_mode = #tpu.pipeline_mode<synchronous>, transform_indices = @transform_6, window_bounds = array<i64: 1, 128>}, {pipeline_mode = #tpu.pipeline_mode<synchronous>, transform_indices = @transform_7, window_bounds = array<i64: 1, 128>}, {transform_indices = @transform_8, window_bounds = array<i64: 8000, 128>}]} {
    %get3A = arith.constant 0 : index
    %get3A_0 = arith.constant 0 : index
    %get3A_1 = vector.load %arg1[%get3A, %get3A_0] : memref<8000x128xf32, #tpu.memory_space<vmem>>, vector<8000x128xf32>
    %get3A_2 = arith.constant 0 : index
    %get3A_3 = arith.constant 0 : index
    %get3A_4 = vector.load %arg2[%get3A_2, %get3A_3] : memref<128x128xf32, #tpu.memory_space<vmem>>, vector<128x128xf32>
    %dot_general3A = arith.constant dense<0.000000e+00> : vector<8000x128xf32>
    %dot_general3A_5 = tpu.matmul %get3A_1, %get3A_4, %dot_general3A {dimension_numbers = #tpu.dot_dimension_numbers<[1], [0], [0], [1], [0, 0, 1, 1], [], []>, transpose_lhs_hint = false} : vector<8000x128xf32>, vector<128x128xf32>, vector<8000x128xf32> -> vector<8000x128xf32>
    %get3A_6 = arith.constant 0 : index
    %get3A_7 = arith.constant 0 : index
    %get3A_8 = vector.load %arg3[%get3A_6, %get3A_7] : memref<1x128xf32, #tpu.memory_space<vmem>>, vector<1x128xf32>
    %add3A = vector.broadcast %get3A_8 : vector<1x128xf32> to vector<8000x128xf32>
    %add3A_9 = arith.addf %dot_general3A_5, %add3A : vector<8000x128xf32>
    %get3A_10 = arith.constant 0 : index
    %get3A_11 = arith.constant 0 : index
    %get3A_12 = vector.load %arg4[%get3A_10, %get3A_11] : memref<8000x128xf32, #tpu.memory_space<vmem>>, vector<8000x128xf32>
    %add3A_13 = arith.addf %add3A_9, %get3A_12 : vector<8000x128xf32>
    %get3A_14 = arith.constant 0 : index
    %get3A_15 = arith.constant 0 : index
    %get3A_16 = vector.load %arg5[%get3A_14, %get3A_15] : memref<1x128xf32, #tpu.memory_space<vmem>>, vector<1x128xf32>
    %mul3A = arith.constant 3.125000e-06 : f32
    %mul3A_17 = vector.broadcast %mul3A : f32 to vector<1x128xf32>
    %mul3A_18 = arith.mulf %get3A_16, %mul3A_17 : vector<1x128xf32>
    %get3A_19 = arith.constant 0 : index
    %get3A_20 = arith.constant 0 : index
    %get3A_21 = vector.load %arg6[%get3A_19, %get3A_20] : memref<1x128xf32, #tpu.memory_space<vmem>>, vector<1x128xf32>
    %mul3A_22 = arith.constant 3.125000e-06 : f32
    %mul3A_23 = vector.broadcast %mul3A_22 : f32 to vector<1x128xf32>
    %mul3A_24 = arith.mulf %get3A_21, %mul3A_23 : vector<1x128xf32>
    %mul3A_25 = arith.mulf %mul3A_18, %mul3A_18 : vector<1x128xf32>
    %sub3A = arith.subf %mul3A_24, %mul3A_25 : vector<1x128xf32>
    %add3A_26 = arith.constant 9.99999974E-6 : f32
    %add3A_27 = vector.broadcast %add3A_26 : f32 to vector<1x128xf32>
    %add3A_28 = arith.addf %sub3A, %add3A_27 : vector<1x128xf32>
    %rsqrt3A = math.rsqrt %add3A_28 : vector<1x128xf32>
    %sub3A_29 = vector.broadcast %mul3A_18 : vector<1x128xf32> to vector<8000x128xf32>
    %sub3A_30 = arith.subf %add3A_13, %sub3A_29 : vector<8000x128xf32>
    %mul3A_31 = vector.broadcast %rsqrt3A : vector<1x128xf32> to vector<8000x128xf32>
    %mul3A_32 = arith.mulf %sub3A_30, %mul3A_31 : vector<8000x128xf32>
    %get3A_33 = arith.constant 0 : index
    %get3A_34 = arith.constant 0 : index
    %get3A_35 = vector.load %arg7[%get3A_33, %get3A_34] : memref<1x128xf32, #tpu.memory_space<vmem>>, vector<1x128xf32>
    %mul3A_36 = vector.broadcast %get3A_35 : vector<1x128xf32> to vector<8000x128xf32>
    %mul3A_37 = arith.mulf %mul3A_32, %mul3A_36 : vector<8000x128xf32>
    %get3A_38 = arith.constant 0 : index
    %get3A_39 = arith.constant 0 : index
    %get3A_40 = vector.load %arg8[%get3A_38, %get3A_39] : memref<1x128xf32, #tpu.memory_space<vmem>>, vector<1x128xf32>
    %add3A_41 = vector.broadcast %get3A_40 : vector<1x128xf32> to vector<8000x128xf32>
    %add3A_42 = arith.addf %mul3A_37, %add3A_41 : vector<8000x128xf32>
    %get3A_43 = arith.constant 0 : index
    %get3A_44 = arith.constant 0 : index
    %get3A_45 = vector.load %arg1[%get3A_43, %get3A_44] : memref<8000x128xf32, #tpu.memory_space<vmem>>, vector<8000x128xf32>
    %max3A = arith.constant 0.000000e+00 : f32
    %max3A_46 = vector.broadcast %max3A : f32 to vector<8000x128xf32>
    %max3A_47 = arith.maximumf %add3A_42, %max3A_46 : vector<8000x128xf32>
    %add3A_48 = arith.addf %get3A_45, %max3A_47 : vector<8000x128xf32>
    %swap3A = arith.constant 0 : index
    %swap3A_49 = arith.constant 0 : index
    %swap3A_50 = vector.load %arg9[%swap3A, %swap3A_49] : memref<8000x128xf32, #tpu.memory_space<vmem>>, vector<8000x128xf32>
    tpu.vector_store %arg9[%swap3A, %swap3A_49], %add3A_48 {strides = array<i32>} : memref<8000x128xf32, #tpu.memory_space<vmem>>, vector<8000x128xf32>,
    return
  }
  func.func @transform_0(%arg0: i32) -> (i32, i32) {
    %c0_i32 = arith.constant 0 : i32
    %c0_i32_0 = arith.constant 0 : i32
    return %arg0, %c0_i32 : i32, i32
  }
  func.func @transform_1(%arg0: i32) -> (i32, i32) {
    %c0_i32 = arith.constant 0 : i32
    %c0_i32_0 = arith.constant 0 : i32
    %c0_i32_1 = arith.constant 0 : i32
    return %c0_i32, %c0_i32_0 : i32, i32
  }
  func.func @transform_2(%arg0: i32) -> (i32, i32) {
    %c0_i32 = arith.constant 0 : i32
    %c0_i32_0 = arith.constant 0 : i32
    %c0_i32_1 = arith.constant 0 : i32
    return %c0_i32, %c0_i32_0 : i32, i32
  }
  func.func @transform_3(%arg0: i32) -> (i32, i32) {
    %c0_i32 = arith.constant 0 : i32
    %c0_i32_0 = arith.constant 0 : i32
    return %arg0, %c0_i32 : i32, i32
  }
  func.func @transform_4(%arg0: i32) -> (i32, i32) {
    %c0_i32 = arith.constant 0 : i32
    %c0_i32_0 = arith.constant 0 : i32
    %c0_i32_1 = arith.constant 0 : i32
    return %c0_i32, %c0_i32_0 : i32, i32
  }
  func.func @transform_5(%arg0: i32) -> (i32, i32) {
    %c0_i32 = arith.constant 0 : i32
    %c0_i32_0 = arith.constant 0 : i32
    %c0_i32_1 = arith.constant 0 : i32
    return %c0_i32, %c0_i32_0 : i32, i32
  }
  func.func @transform_6(%arg0: i32) -> (i32, i32) {
    %c0_i32 = arith.constant 0 : i32
    %c0_i32_0 = arith.constant 0 : i32
    %c0_i32_1 = arith.constant 0 : i32
    return %c0_i32, %c0_i32_0 : i32, i32
  }
  func.func @transform_7(%arg0: i32) -> (i32, i32) {
    %c0_i32 = arith.constant 0 : i32
    %c0_i32_0 = arith.constant 0 : i32
    %c0_i32_1 = arith.constant 0 : i32
    return %c0_i32, %c0_i32_0 : i32, i32
  }
  func.func @transform_8(%arg0: i32) -> (i32, i32) {
    %c0_i32 = arith.constant 0 : i32
    %c0_i32_0 = arith.constant 0 : i32
    return %arg0, %c0_i32 : i32, i32
  }
}

</mosaic_0001>

<sc_bundles>
// kernel: kernel.8.cloned.1.call-start
scs
__scs_entry_jumppad:
0x0: {  	(pc) =	sbr.rel $0x88, $3  }
0x1: {  	(tag) =	ssettag $0x0;
	lr =	simm.s32 $0x1  }
0x2: {  	[smem:$0x3F90] =	sst lr;
	_ =	strace $0xD0000000  }
0x3: {  	_ = 	snop  }
0x4: {  	_ = 	snop  }
0x5: {  	_ = 	snop  }
0x6: {  	_ = 	snop  }
0x7: {  	_ = 	snop  }
__scs_overlays_trampoline_lowered:
0x8: {  	[smem:$0x3F9F] =	sst s0  }
0x9: {  	[smem:$0x3FA0] =	sst s1  }
0xa: {  	[smem:$0x3FA1] =	sst s2  }
0xb: {  	[smem:$0x3FA2] =	sst s3  }
0xc: {  	[smem:$0x3FA3] =	sst s4  }
0xd: {  	[smem:$0x3FA4] =	sst s5  }
0xe: {  	[smem:$0x3FA5] =	sst s6  }
0xf: {  	[smem:$0x3FA6] =	sst s7  }
0x10: {  	[smem:$0x3FA7] =	sst s8  }
0x11: {  	[smem:$0x3FA8] =	sst s9;
	s0 =	simm.s32 @!p0 $0x0  }
0x12: {  	s1 =	sld [smem:$0x3F8E];
	s0 =	simm.s32 @p0 $0x1  }
0x13: {  	[smem:$0x3FA9] =	sst s0;
	s0 =	simm.s32 @!p1 $0x0  }
0x14: {  	s2 =	sld [smem:$0x3F8D];
	s0 =	simm.s32 @p1 $0x1  }
0x15: {  	[smem:$0x3FAA] =	sst s0;
	s0 =	simm.s32 @!p2 $0x0  }
0x16: {  	s3 =	sld [smem:$0x3FDB];
	s0 =	simm.s32 @p2 $0x1  }
0x17: {  	s4 =	simm.s32 $0x1BF5;
	[smem:$0x3FAC] =	sst s0  }
0x18: {  	s0 =	sld [smem:$0x3F8F];
	_ =	swait.ge [sflag:s4], $0x0  }
0x19: {  	s7 =	sld [smem:$0x3F90]  }
0x1a: {  	s8 =	sadd.s32 $0xFFFFE003, lr  }
0x1b: {  	s9 =	sadd.s32 $0xFFFFFEF7, lr;
	s5 =	simm.s32 $0xFFFFFFFF;
	p2 =	slt.u32 s8, $0xFFFFF086  }
0x1c: {  	p1 =	slt.u32 s9, $0xF7A;
	s5 =	simm.s32 @!p2 $0x0  }
0x1d: {  	s5 =	simm.s32 @p1 $0x1;
	p0 =	seq.s32 s7, s2  }
0x1e: {  	s7 =	smul.u32 @!p0 $0xF7A, s2;
	p2 =	seq.s32 @!p0 s5, $0x0  }
0x1f: {  	s9 =	smul.u32 $0xF7A, s1;
	s8 =	simm.s32 @!p0 $0x1BF5;
	p2 =	por !p2, p0  }
0x20: {  	[sflag:s8] =	ssyncset.s32 @!p0 $0xFFFFF086;
	s6 =	sadd.s32 @!p0 s3, s7;
	s7 =	simm.s32 @!p0 $0x108  }
0x21: {  	s3 =	sadd.s32 s3, s9;
	s6 =	sadd.s32 @!p0 $0x88, s6;
	s7 =	simm.s32 @p2 $0x1082  }
0x22: {  	[simem:s7], [sflag:s8] =	dma.local @!p0 [hbm:s6], $0xF7A  }
0x23: {  	s9 =	sor.u32 $0xD0000000, s2;
	s6 =	simm.s32 $0x108;
	_ =	swait.ge @!p0 [sflag:s8], $0x0  }
0x24: {  	s3 =	sadd.s32 $0x88, s3;
	s6 =	simm.s32 @!p1 $0x1082;
	[sflag:s4] =	ssyncset.s32 $0xFFFFF086  }
0x25: {  	[simem:s6], [sflag:s4] =	dma.local [hbm:s3], $0xF7A  }
0x26: {  	[smem:$0x3F90] =	sst s1;
	(tag) =	ssettag s2;
	_ =	strace s9  }
0x27: {  	s1 =	sld [smem:$0x3FA0]  }
0x28: {  	s2 =	sld [smem:$0x3FA1]  }
0x29: {  	s4 =	sld [smem:$0x3FA3]  }
0x2a: {  	p0 =	seq.s32 s5, $0x0;
	s5 =	sld [smem:$0x3FA4]  }
0x2b: {  	s6 =	sld [smem:$0x3FA5]  }
0x2c: {  	s7 =	sld [smem:$0x3FA6]  }
0x2d: {  	s3 =	simm.s32 $0x108;
	s8 =	sld [smem:$0x3FA7]  }
0x2e: {  	s3 =	simm.s32 @!p0 $0x1082;
	s9 =	sld [smem:$0x3FA8]  }
0x2f: {  	lr =	sadd.s32 s0, s3;
	s0 =	sld [smem:$0x3F9F]  }
0x30: {  	s3 =	sld [smem:$0x3FA2]  }
0x31: {  	[smem:$0x3FAB] =	sst s10  }
0x32: {  	s10 =	sld [smem:$0x3FA9];
	_ =	sdelay $0x3  }
0x33: {  	p0 =	seq.s32 s10, $0x1;
	s10 =	sld [smem:$0x3FAB];
	_ =	sdelay $0x3  }
0x34: {  	[smem:$0x3FAB] =	sst s10  }
0x35: {  	s10 =	sld [smem:$0x3FAA];
	_ =	sdelay $0x3  }
0x36: {  	p1 =	seq.s32 s10, $0x1;
	s10 =	sld [smem:$0x3FAB];
	_ =	sdelay $0x3  }
0x37: {  	[smem:$0x3FAB] =	sst s10  }
0x38: {  	s10 =	sld [smem:$0x3FAC]  }
0x39: {  	_ = 	snop;
	(pc) =	sbr.ind lr, $3  }
0x3a: {  	_ = 	snop  }
0x3b: {  	_ = 	snop  }
0x3c: {  	p2 =	seq.s32 s10, $0x1;
	s10 =	sld [smem:$0x3FAB]  }
0x3d: {  	_ =	shalt  }
0x3e: {  	_ =	shalt  }
0x3f: {  	_ =	shalt  }
0x40: {  	_ =	shalt  }
0x41: {  	_ =	shalt  }
0x42: {  	_ =	shalt  }
0x43: {  	_ =	shalt  }
0x44: {  	_ =	shalt  }
0x45: {  	_ =	shalt  }
0x46: {  	_ =	shalt  }
0x47: {  	_ =	shalt  }
0x48: {  	_ =	shalt  }
0x49: {  	_ =	shalt  }
0x4a: {  	_ =	shalt  }
0x4b: {  	_ =	shalt  }
0x4c: {  	_ =	shalt  }
0x4d: {  	_ =	shalt  }
0x4e: {  	_ =	shalt  }
0x4f: {  	_ =	shalt  }
0x50: {  	_ =	shalt  }
0x51: {  	_ =	shalt  }
0x52: {  	_ =	shalt  }
0x53: {  	_ =	shalt  }
0x54: {  	_ =	shalt  }
0x55: {  	_ =	shalt  }
0x56: {  	_ =	shalt  }
0x57: {  	_ =	shalt  }
0x58: {  	_ =	shalt  }
0x59: {  	_ =	shalt  }
0x5a: {  	_ =	shalt  }
0x5b: {  	_ =	shalt  }
0x5c: {  	_ =	shalt  }
0x5d: {  	_ =	shalt  }
0x5e: {  	_ =	shalt  }
0x5f: {  	_ =	shalt  }
0x60: {  	_ =	shalt  }
0x61: {  	_ =	shalt  }
0x62: {  	_ =	shalt  }
0x63: {  	_ =	shalt  }
0x64: {  	_ =	shalt  }
0x65: {  	_ =	shalt  }
0x66: {  	_ =	shalt  }
0x67: {  	_ =	shalt  }
0x68: {  	_ =	shalt  }
0x69: {  	_ =	shalt  }
0x6a: {  	_ =	shalt  }
0x6b: {  	_ =	shalt  }
0x6c: {  	_ =	shalt  }
0x6d: {  	_ =	shalt  }
0x6e: {  	_ =	shalt  }
0x6f: {  	_ =	shalt  }
0x70: {  	_ =	shalt  }
0x71: {  	_ =	shalt  }
0x72: {  	_ =	shalt  }
0x73: {  	_ =	shalt  }
0x74: {  	_ =	shalt  }
0x75: {  	_ =	shalt  }
0x76: {  	_ =	shalt  }
0x77: {  	_ =	shalt  }
0x78: {  	_ =	shalt  }
0x79: {  	_ =	shalt  }
0x7a: {  	_ =	shalt  }
0x7b: {  	_ =	shalt  }
0x7c: {  	_ =	shalt  }
0x7d: {  	_ =	shalt  }
0x7e: {  	_ =	shalt  }
0x7f: {  	_ =	shalt  }
0x80: {  	_ =	shalt  }
0x81: {  	_ =	shalt  }
0x82: {  	_ =	shalt  }
0x83: {  	_ =	shalt  }
0x84: {  	_ =	shalt  }
0x85: {  	_ =	shalt  }
0x86: {  	_ =	shalt  }
0x87: {  	_ =	shalt  }
.Lfunc_end0:
.L_simem_size_0:
called_computation_lowered:
.L_overlay_start_0:
0x88: {  	s2 =	sld [smem:$0x3FD9]  }
0x89: {  	s3 =	sld [smem:$0x3FFE];
	_ =	sdelay $0x1  }
0x8a: {  	s1 =	srdreg.scid  }
0x8b: {  	s0 =	sand.u32 $0x1, s1  }
0x8c: {  	s14 =	sshll.u32 s0, $0xA;
	s2 =	sadd.s32 s3, s2  }
0x8d: {  	s2 =	sadd.s32 s2, s14  }
0x8e: {  	[smem:$0x3FB7] =	sst s2  }
0x8f: {  	_ = 	snop  }
0x90: {  	s2 =	sld [smem:$0x3FD0];
	_ =	sdelay $0x2  }
0x91: {  	s4 =	simm.s32 $0xA;
	s5 =	simm.s32 $0x10;
	s15 =	sld [smem:$0x3FC8]  }
0x92: {  	[smem:s5], [sflag:s4] =	dma.local [hbm:s2], $0x1  }
0x93: {  	_ =	swait.eq [sflag:s4], $0x1  }
0x94: {  	[sflag:s4] =	ssyncset.done $0x0  }
0x95: {  	[sflag:s4] =	ssyncadd.s32 $0xFFFFFFFF  }
0x96: {  	s16 =	sld [smem:$0x11];
	(tm) =	ssettm $0x1  }
0x97: {  	s17 =	sld [smem:$0x3FFB];
	_ =	sdelay $0x3  }
0x98: {  	_ =	strace s17  }
0x99: {  	s4 =	sld [smem:$0x3FFC];
	_ =	sdelay $0x3  }
0x9a: {  	_ =	strace s4  }
0x9b: {  	s4 =	sld [smem:$0x3FFD];
	_ =	sdelay $0x3  }
0x9c: {  	_ =	strace s4  }
0x9d: {  	_ =	strace $0x8FFFFFFF  }
0x9e: {  	s18 =	sld [smem:$0x3FDB];
	_ =	sdelay $0x1  }
0x9f: {  	s19 =	simm.s32 $_scs_section_size  }
0xa0: {  	s6 =	simm.s32 $_size__tile_overlayer_lowered;
	s7 =	simm.s32 $_tile_overlayer_lowered  }
0xa1: {  	s22 =	simm.s32 $0x1BFF;
	s21 =	sshll.u32 s7, $0x1;
	s4 =	sadd.s32 s19, s18  }
0xa2: {  	s8 =	simm.s32 $0x0;
	s20 =	sshll.u32 s6, $0x1;
	s6 =	sadd.s32 s21, s4  }
0xa3: {  	[timem:s8], [sflag:s22] =	dma.local [hbm:s6], s20  }
0xa4: {  	_ =	swait.ge [sflag:s22], s20  }
0xa5: {  	s5 =	ssub.s32 $0x0, s20;
	[sflag:s22] =	ssyncset.done $0x0  }
0xa6: {  	[sflag:s22] =	ssyncadd.s32 s5;
	_ =	sdelay $0x1  }
0xa7: {  	s23 =	simm.s32 $0x1B8B  }
0xa8: {  	_ =	swait.ge [sflag:s23], $0x1  }
0xa9: {  	[sflag:s23] =	ssyncset.done $0x0  }
0xaa: {  	s25 =	simm.s32 $0x1B8E;
	s24 =	sld [smem:$0x3FFE];
	[sflag:s23] =	ssyncadd.s32 $0xFFFFFFFF  }
0xab: {  	s26 =	simm.s32 $execute0_lowered;
	[smem:$0x3FD2] =	sst s25  }
0xac: {  	s6 =	sshll.u32 s26, $0x1;
	_ =	strace $0x80000046;
	[dreg:$0x1] =	wrdreg $0xFFFFFFFF  }
0xad: {  	s28 =	simm.s32 $_size_execute0_lowered;
	s4 =	sadd.s32 s4, s6;
	[dreg:$0x0] =	wrdreg $0x0  }
0xae: {  	s6 =	sshll.u32 s28, $0x1;
	[dreg:$0x2] =	wrdreg s4  }
0xaf: {  	[dreg:$0x3] =	wrdreg s6  }
0xb0: {  	[dreg:$0x4] =	wrdreg $0xC0  }
0xb1: {  	_ =	task [dreg:s8], $0x5FFFF  }
0xb2: {  	[dreg:$0x1] =	wrdreg $0xFFFFFFFF  }
0xb3: {  	[dreg:$0x0] =	wrdreg $0x60  }
0xb4: {  	[dreg:$0x2] =	wrdreg s15  }
0xb5: {  	[dreg:$0x3] =	wrdreg s24  }
0xb6: {  	[dreg:$0x4] =	wrdreg s16  }
0xb7: {  	[dreg:$0x5] =	wrdreg $0xA2000  }
0xb8: {  	[dreg:$0x6] =	wrdreg $0x9  }
0xb9: {  	_ =	task.clear_ibuf [dreg:s8], $0x7FFFF;
	_ =	strace $0x90000046  }
0xba: {  	s29 =	simm.s32 $0x9;
	_ =	strace $0x80000048  }
0xbb: {  	_ =	swait.ge [sflag:s29], $0x1  }
0xbc: {  	[sflag:s29] =	ssyncadd.s32 $0xFFFFFFFF  }
0xbd: {  	_ =	strace $0x90000048  }
0xbe: {  	_ =	sfence  }
0xbf: {  	s30 =	sld [smem:$0x0];
	_ =	sdelay $0x2  }
0xc0: {  	s31 =	sshll.u32 s1, $0xD;
	s1 =	sshrl.u32 s1, $0x2  }
0xc1: {  	s3 =	sand.u32 $0x4000, s31;
	s1 =	sadd.s32 s1, s30  }
0xc2: {  	s0 =	sor.u32 s3, s0;
	s1 =	sshll.u32 s1, $0x11  }
0xc3: {  	s0 =	sor.u32 s1, s0  }
0xc4: {  	s0 =	sadd.s32 $0x8F2B, s0  }
0xc5: {  	[sflag:s0] =	ssyncadd.remote.s32 $0x1  }
0xc6: {  	_ =	sfence.sel $0xFFFF  }
0xc7: {  	[dreg:$0x0] =	wrdreg $0xFFFFFFFF;
	(pc) =	sbr.abs _section_cstart, $3  }
0xc8: {  	[dreg:$0x1] =	wrdreg $0xFFFFFFFF  }
0xc9: {  	_ =	task.clear_ibuf [dreg:s8], $0x2FFFF;
	_ =	strace $0x9FFFFFFF  }
0xca: {  	(tm) =	ssettm $0x7FFFFFFF  }
0xcb: {  	_ =	shalt  }
tec
execute0_lowered:
.L_overlay_start_1:
0x0: {  	(tag) =	ssettag $0x1  }
0x1: {  	s1 =	rddreg [dreg:$0x0]  }
0x2: {  	s0 =	rddreg [dreg:$0x1]  }
0x3: {  	s3 =	rddreg [dreg:$0x2]  }
0x4: {  	s29 =	rddreg [dreg:$0x3]  }
0x5: {  	s4 =	simm.s32 $0x0;
	s18 =	stileid.u32;
	s11 =	srdreg.scid  }
0x6: {  	s28 =	simm.s32 $0x7;
	s30 =	simm.s32 $0x28;
	[smem:$0x7FF] =	sst s4  }
0x7: {  	s5 =	sadd.s32 $0xD400, s0;
	s6 =	sadd.s32 $0x3600, s0;
	s10 =	smul.u32 $0x2700, s18  }
0x8: {  	s7 =	sadd.s32 $0x65600, s0;
	s8 =	sadd.s32 $0x17200, s0;
	s9 =	sadd.s32 $0x3E400, s0  }
0x9: {  	s13 =	sand.u32 $0x1, s11;
	s14 =	sshll.u32 s18, $0x1;
	s25 =	sadd.s32 $0x124800, s29  }
0xa: {  	s15 =	smul.u32 $0x4E000, s18;
	p0 =	seq.s32 s18, $0xF;
	_ =	strace $0x80000047  }
0xb: {  	s11 =	ssub.s32 $0x2, s13;
	s14 =	sor.u32 s13, s14;
	[dreg:$0x6] =	wrdreg s25  }
0xc: {  	s31 =	smul.u32 $0x138800, s13;
	s12 =	sadd.s32 s10, s0;
	s10 =	sadd.s32 $0xB3A00, s0  }
0xd: {  	s16 =	sshrl.u32 s11, $0x1;
	s15 =	sshrl.u32 s15, $0x2;
	s0 =	sadd.s32 $0xB1100, s0  }
0xe: {  	s17 =	ssub.s32 s11, s16;
	s11 =	smul.u32 $0x2710, s14;
	s2 =	sadd.s32 s15, s29  }
0xf: {  	s14 =	smul.u32 $0x27100, s14;
	s26 =	sadd.s32 $0x8C800, s12;
	[dreg:$0x8] =	wrdreg s0  }
0x10: {  	s16 =	smul.u32 $0x13800, s18;
	s0 =	sshrl.u32 s31, $0x3;
	[dreg:$0x5] =	wrdreg s2  }
0x11: {  	s15 =	simm.s32 $0x6600;
	[dreg:$0x7] =	wrdreg s26;
	s0 =	sadd.s32 s3, s0  }
0x12: {  	s2 =	sshrl.u32 s11, $0x3;
	s13 =	sadd.s32 $0x28, s11;
	s26 =	sadd.s32 $0x50, s11  }
0x13: {  	s0 =	sadd.s32 $0x24900, s0;
	s19 =	sadd.s32 s5, s2;
	s12 =	sadd.s32 s6, s2  }
0x14: {  	s23 =	smov.u32 s13;
	s20 =	sshrl.u32 s13, $0x3;
	[dreg:$0xf] =	wrdreg s26  }
0x15: {  	s2 =	smov.u32 s1;
	s1 =	sadd.s32 s1, s14;
	[dreg:$0x10] =	wrdreg s0  }
0x16: {  	s13 =	sadd.s32 s16, s31;
	s31 =	smax.u32 s17, $0x1;
	[dreg:$0x9] =	wrdreg s19  }
0x17: {  	s16 =	smov.u32 s11;
	s26 =	sadd.s32 $0x78, s11;
	[dreg:$0xa] =	wrdreg s12  }
0x18: {  	s14 =	simm.s32 $0x4;
	s11 =	simm.s32 $0x0;
	[dreg:$0xb] =	wrdreg s1  }
0x19: {  	s21 =	sadd.s32 s5, s20;
	s22 =	sadd.s32 s6, s20;
	s24 =	sshrl.u32 s13, $0x3  }
0x1a: {  	[dreg:$0x11] =	wrdreg s31;
	s12 =	simm.s32 $0x180;
	s13 =	simm.s32 $0x1  }
0x1b: {  	s19 =	simm.s32 $0x5200;
	s20 =	simm.s32 $0x2;
	[dreg:$0xc] =	wrdreg s21  }
0x1c: {  	[dreg:$0xd] =	wrdreg s22;
	s25 =	sadd.s32 s3, s24;
	s3 =	simm.s32 $0x100  }
0x1d: {  	s21 =	simm.s32 $0x3;
	s22 =	simm.s32 $0x5;
	[dreg:$0xe] =	wrdreg s25  }
.LBB2_1:
0x1e: {  	[dreg:$0x12] =	wrdreg s11  }
0x1f: {  	s0 =	rddreg [dreg:$0x6]  }
0x20: {  	s1 =	rddreg [dreg:$0x8];
	s11 =	sshrl.u32 @p0 s0, $0x3  }
0x21: {  	s0 =	simm.s32 @p0 $0x1FC7;
	[dreg:$0x13] =	wrdreg s11  }
0x22: {  	[spmem:s11], [sflag:s0] =	dma.local @p0 [hbm:s1], $0x2800  }
0x23: {  	s0 =	simm.s32 @p0 $0x7  }
0x24: {  	s1 =	stileid.u32;
	_ =	swait.ge @p0 [sflag:s0], $0x2800  }
0x25: {  	s17 =	sshll.u32 @!p0 s1, $0x6;
	[sflag:s0] =	ssyncset.done @p0 $0x0  }
0x26: {  	s1 =	sor.u32 @!p0 $0x1C07, s17;
	[sflag:s0] =	ssyncadd.s32 @p0 $0xFFFFD800;
	s0 =	rddreg [dreg:$0x5]  }
0x27: {  	[dreg:$0x14] =	wrdreg s1  }
0x28: {  	s11 =	sshrl.u32 @!p0 s0, $0x3;
	s0 =	rddreg [dreg:$0x7]  }
0x29: {  	[dreg:$0x15] =	wrdreg s11  }
0x2a: {  	[spmem:s11], [sflag:s1] =	dma.local @!p0 [hbm:s0], $0x2700  }
0x2b: {  	s0 =	simm.s32 @!p0 $0x7  }
0x2c: {  	_ =	swait.ge @!p0 [sflag:s0], $0x2700  }
0x2d: {  	[sflag:s0] =	ssyncset.done @!p0 $0x0  }
0x2e: {  	[sflag:s0] =	ssyncadd.s32 @!p0 $0xFFFFD900  }
0x2f: {  	[bflag:$0x0] =	sbarrier.arrive $0xFFFF  }
0x30: {  	s18 =	rddreg [dreg:$0x9]  }
0x31: {  	[tilespmem:s4], [sflag:$0x7] =	stream.linear.gather [hbm4b:s18+s4], $0x28, $0x38;
	[tilespmem:$0x1DA80] =	vst v63  }
0x32: {  	_ =	swait.ge [sflag:s28], $0x28  }
0x33: {  	[sflag:s28] =	ssyncset.done $0x0  }
0x34: {  	s25 =	simm.s32 $0x80;
	s24 =	rddreg [dreg:$0xa];
	[sflag:s28] =	ssyncadd.s32 $0xFFFFFFD8  }
0x35: {  	[tilespmem:s25], [sflag:$0x7] =	stream.linear.gather [hbm4b:s24+s4], $0x28, $0x38;
	[tilespmem:$0x1DA80] =	vst v63  }
0x36: {  	_ =	swait.ge [sflag:s28], $0x28  }
0x37: {  	[sflag:s28] =	ssyncset.done $0x0  }
0x38: {  	s31 =	simm.s32 $0x1600;
	[sflag:s28] =	ssyncadd.s32 $0xFFFFFFD8  }
0x39: {  	[tilespmem:s31], [sflag:$0x1] =	stream.indirect.gather [hbm4b:s7+s30], $0x80, s25, s30, $0xb8;
	[tilespmem:$0x1DA80] =	vst v63  }
0x3a: {  	s11 =	simm.s32 $0x2A00  }
0x3b: {  	[tilespmem:s11], [sflag:$0x1] =	stream.indirect.gather [hbm4b:s8+s30], $0x80, s4, s30, $0xb8;
	[tilespmem:$0x1DA80] =	vst v63  }
0x3c: {  	s17 =	simm.s32 $0x3E00  }
0x3d: {  	[tilespmem:s17], [sflag:$0x1] =	stream.indirect.gather [hbm4b:s9+s30], $0x80, s25, s30, $0xb8;
	[tilespmem:$0x1DA80] =	vst v63  }
0x3e: {  	s24 =	simm.s32 $0x200;
	s18 =	rddreg [dreg:$0xb]  }
0x3f: {  	[tilespmem:s24], [sflag:$0x1] =	stream.linear.gather [hbm4b:s18+s4], $0x1400, $0x38;
	[tilespmem:$0x1DA80] =	vst v63  }
0x40: {  	s25 =	rddreg [dreg:$0xc]  }
0x41: {  	[tilespmem:s3], [sflag:$0x4] =	stream.linear.gather [hbm4b:s25+s4], $0x28, $0x38;
	[tilespmem:$0x1DA80] =	vst v63  }
0x42: {  	s31 =	rddreg [dreg:$0xd];
	s24 =	simm.s32 $0x0  }
0x43: {  	[tilespmem:s12], [sflag:$0x4] =	stream.linear.gather [hbm4b:s31+s4], $0x28, $0x38;
	[tilespmem:$0x1DA80] =	vst v63  }
.LBB2_2:
0x44: {  	_ =	swait.ge [sflag:s13], $0x1400  }
0x45: {  	[sflag:s13] =	ssyncset.done $0x0  }
0x46: {  	[sflag:s13] =	ssyncadd.s32 $0xFFFFEC00  }
0x47: {  	_ =	swait.ge [sflag:s13], $0x1400  }
0x48: {  	[sflag:s13] =	ssyncset.done $0x0  }
0x49: {  	[sflag:s13] =	ssyncadd.s32 $0xFFFFEC00  }
0x4a: {  	_ =	swait.ge [sflag:s13], $0x1400  }
0x4b: {  	[sflag:s13] =	ssyncset.done $0x0  }
0x4c: {  	[sflag:s13] =	ssyncadd.s32 $0xFFFFEC00  }
0x4d: {  	_ =	swait.ge [sflag:s13], $0x1400  }
0x4e: {  	[sflag:s13] =	ssyncset.done $0x0  }
0x4f: {  	[sflag:s13] =	ssyncadd.s32 $0xFFFFEC00  }
0x50: {  	_ =	swait.ge [sflag:s14], $0x28  }
0x51: {  	[sflag:s14] =	ssyncset.done $0x0  }
0x52: {  	[sflag:s14] =	ssyncadd.s32 $0xFFFFFFD8  }
0x53: {  	_ =	swait.ge [sflag:s14], $0x28  }
0x54: {  	p1 =	seq.s32 s24, $0x0;
	[sflag:s14] =	ssyncset.done $0x0  }
0x55: {  	s0 =	simm.s32 @!p1 $0x6;
	[sflag:s14] =	ssyncadd.s32 $0xFFFFFFD8  }
0x56: {  	_ =	swait.ge @!p1 [sflag:s0], $0x1400  }
0x57: {  	[sflag:s0] =	ssyncset.done @!p1 $0x0  }
0x58: {  	[sflag:s0] =	ssyncadd.s32 @!p1 $0xFFFFEC00  }
0x59: {  	[tilespmem:s15], [sflag:$0x2] =	stream.indirect.gather [hbm4b:s7+s30], $0x80, s12, s30, $0xb8;
	[tilespmem:$0x1DA80] =	vst v63  }
0x5a: {  	s11 =	simm.s32 $0x7A00;
	s25 =	smul.u32 $0x50, s24  }
0x5b: {  	[tilespmem:s11], [sflag:$0x2] =	stream.indirect.gather [hbm4b:s8+s30], $0x80, s3, s30, $0xb8;
	[tilespmem:$0x1DA80] =	vst v63  }
0x5c: {  	s17 =	simm.s32 $0x8E00;
	s18 =	sadd.s32 s25, s23  }
0x5d: {  	[tilespmem:s17], [sflag:$0x2] =	stream.indirect.gather [hbm4b:s9+s30], $0x80, s12, s30, $0xb8;
	[tilespmem:$0x1DA80] =	vst v63  }
0x5e: {  	s17 =	sshll.u32 s18, $0x4  }
0x5f: {  	s18 =	simm.s32 $0x0;
	s0 =	sadd.s32 s2, s17  }
0x60: {  	[tilespmem:s19], [sflag:$0x2] =	stream.linear.gather [hbm4b:s0+s18], $0x1400, $0x38;
	[tilespmem:$0x1DA80] =	vst v63  }
0x61: {  	s18 =	simm.s32 $0x0  }
0x62: {  	v0 =	vld [tilespmem:s18+$0x200]  }
0x63: {  	v1 =	vld [tilespmem:s18+$0x210];
	_ =	sdelay $0x1  }
0x64: {  	v2 =	vld [tilespmem:s18+$0x220]  }
0x65: {  	v3 =	vld [tilespmem:s18+$0x230]  }
0x66: {  	v4 =	vld [tilespmem:s18+$0x240];
	v0 =	vsub.f32 $0.0e+00, v0  }
0x67: {  	v5 =	vld [tilespmem:s18+$0x250];
	v1 =	vsub.f32 $0.0e+00, v1  }
0x68: {  	v6 =	vld [tilespmem:s18+$0x260];
	v0 =	vmul.f32 $1.442695020e+00, v0  }
0x69: {  	v7 =	vld [tilespmem:s18+$0x270];
	v1 =	vmul.f32 $1.442695020e+00, v1  }
0x6a: {  	v8 =	vld [tilespmem:s18+$0x2A00];
	v2 =	vsub.f32 $0.0e+00, v2;
	(erf) = vpow2.f32 v0  }
0x6b: {  	v9 =	vld [tilespmem:s18+$0x3E00];
	v3 =	vsub.f32 $0.0e+00, v3;
	(erf) = vpow2.f32 v1  }
0x6c: {  	v4 =	vsub.f32 $0.0e+00, v4;
	v2 =	vmul.f32 $1.442695020e+00, v2  }
0x6d: {  	v5 =	vsub.f32 $0.0e+00, v5;
	v3 =	vmul.f32 $1.442695020e+00, v3  }
0x6e: {  	v10 =	vld [tilespmem:s18+$0x2A10];
	v7 =	vsub.f32 $0.0e+00, v7;
	v4 =	vmul.f32 $1.442695020e+00, v4;
	(erf) = vpow2.f32 v2  }
0x6f: {  	v11 =	vld [tilespmem:s18+$0x3E10];
	v6 =	vsub.f32 $0.0e+00, v6;
	v5 =	vmul.f32 $1.442695020e+00, v5;
	(erf) = vpow2.f32 v3  }
0x70: {  	(erf) = vpow2.f32 v4;
	v4 =	vmul.f32 $1.442695020e+00, v7;
	v7 =	vadd.f32 v9, v8  }
0x71: {  	v12 =	vld [tilespmem:s18+$0x2A20];
	v6 =	vmul.f32 $1.442695020e+00, v6  }
0x72: {  	v14 =	vld [tilespmem:s18+$0x3E30];
	(erf) = vpow2.f32 v5  }
0x73: {  	v0 =	vld [tilespmem:s18+$0x2A30];
	v5 =	vpop (erf);
	(erf) = vpow2.f32 v6  }
0x74: {  	v6 =	vld [tilespmem:s18+$0x1600];
	[tilespmem:s18+$0x1600] =	vst v7;
	(erf) = vpow2.f32 v4;
	v4 =	vadd.f32 v11, v10;
	v7 =	vpop (erf)  }
0x75: {  	v15 =	vld [tilespmem:s18+$0x2A40];
	v5 =	vadd.f32 $1.000000000e+00, v5;
	v7 =	vadd.f32 $1.000000000e+00, v7  }
0x76: {  	v1 =	vld [tilespmem:s18+$0x3E40]  }
0x77: {  	v13 =	vld [tilespmem:s18+$0x3E20];
	(erf) = vrcp.f32 v5  }
0x78: {  	v0 =	vadd.f32 v14, v0;
	v5 =	vld [tilespmem:s18+$0x1610];
	[tilespmem:s18+$0x1610] =	vst v4;
	v4 =	vpop (erf);
	(erf) = vrcp.f32 v7  }
0x79: {  	v16 =	vld [tilespmem:s18+$0x2A50];
	v7 =	vpop (erf)  }
0x7a: {  	v2 =	vld [tilespmem:s18+$0x3E50];
	v4 =	vadd.f32 $1.000000000e+00, v4;
	v7 =	vadd.f32 $1.000000000e+00, v7  }
0x7b: {  	v17 =	vld [tilespmem:s18+$0x2A60];
	v1 =	vadd.f32 v1, v15;
	v59 =	vpop (erf)  }
0x7c: {  	v58 =	vld [tilespmem:s18+$0x1630];
	[tilespmem:s18+$0x1630] =	vst v0;
	(erf) = vrcp.f32 v4;
	v0 =	vpop (erf)  }
0x7d: {  	v3 =	vld [tilespmem:s18+$0x3E60];
	(erf) = vrcp.f32 v7;
	v0 =	vadd.f32 $1.000000000e+00, v0  }
0x7e: {  	v11 =	vadd.f32 $1.000000000e+00, v59;
	v7 =	vpop (erf)  }
0x7f: {  	v2 =	vadd.f32 v2, v16;
	v4 =	vld [tilespmem:s18+$0x1640];
	[tilespmem:s18+$0x1640] =	vst v1;
	v1 =	vpop (erf)  }
0x80: {  	v57 =	vld [tilespmem:s18+$0x1620];
	(erf) = vrcp.f32 v11;
	v61 =	vpop (erf)  }
0x81: {  	v60 =	vld [tilespmem:s18+$0x1650];
	v56 =	vadd.f32 v13, v12;
	[tilespmem:s18+$0x1650] =	vst v2;
	(erf) = vrcp.f32 v0;
	v2 =	vmul.f32 v61, v6;
	v0 =	vpop (erf)  }
0x82: {  	v3 =	vadd.f32 v3, v17;
	v0 =	vmul.f32 v0, v5  }
0x83: {  	[tilespmem:s18+$0x1620] =	vst v56;
	v7 =	vadd.f32 $1.000000000e+00, v7  }
0x84: {  	v1 =	vadd.f32 $1.000000000e+00, v1;
	v6 =	vld [tilespmem:s18+$0x1660];
	[tilespmem:s18+$0x1660] =	vst v3  }
0x85: {  	s31 =	simm.s32 $0x80;
	(erf) = vrcp.f32 v7;
	[tilespmem:s18+$0x200] =	vst v2;
	v2 =	vpop (erf)  }
0x86: {  	v7 =	vld [tilespmem:s31+$0x200];
	[tilespmem:s18+$0x210] =	vst v0;
	(erf) = vrcp.f32 v1;
	v1 =	vmul.f32 v2, v57;
	v0 =	vpop (erf)  }
0x87: {  	v2 =	vmul.f32 v0, v58;
	_ =	sdelay $0x1  }
0x88: {  	v18 =	vld [tilespmem:s18+$0x2A70]  }
0x89: {  	v62 =	vld [tilespmem:s31+$0x210];
	[tilespmem:s18+$0x220] =	vst v1;
	v1 =	vpop (erf)  }
0x8a: {  	v0 =	vld [tilespmem:s31+$0x220];
	[tilespmem:s18+$0x230] =	vst v2;
	v3 =	vmul.f32 v1, v4;
	v2 =	vpop (erf)  }
0x8b: {  	v5 =	vld [tilespmem:s18+$0x1670];
	v4 =	vmul.f32 v2, v60  }
0x8c: {  	v8 =	vld [tilespmem:s18+$0x3E70];
	_ =	sdelay $0x1  }
0x8d: {  	v1 =	vld [tilespmem:s31+$0x230];
	[tilespmem:s18+$0x240] =	vst v3;
	v3 =	vpop (erf)  }
0x8e: {  	v2 =	vld [tilespmem:s31+$0x240];
	[tilespmem:s18+$0x250] =	vst v4;
	v6 =	vmul.f32 v3, v6;
	v4 =	vpop (erf)  }
0x8f: {  	v63 =	vmul.f32 v4, v5  }
0x90: {  	v3 =	vld [tilespmem:s31+$0x250];
	[tilespmem:s18+$0x260] =	vst v6;
	v6 =	vsub.f32 $0.0e+00, v7;
	v7 =	vadd.f32 v8, v18  }
0x91: {  	s0 =	simm.s32 $0x400;
	v5 =	vsub.f32 $0.0e+00, v62;
	v4 =	vld [tilespmem:s31+$0x260];
	[tilespmem:s18+$0x270] =	vst v63  }
.LBB2_3:
0x92: {  	p1 =	sne.s32 s0, $0x4E00;
	v6 =	vmul.f32 $1.442695020e+00, v6;
	v0 =	vsub.f32 $0.0e+00, v0;
	v8 =	vld [tilespmem:s31+$0x270];
	[tilespmem:s18+$0x1670] =	vst v7;
	s18 =	smov.u32 s31  }
0x93: {  	v5 =	vmul.f32 $1.442695020e+00, v5;
	v1 =	vsub.f32 $0.0e+00, v1  }
0x94: {  	v0 =	vmul.f32 $1.442695020e+00, v0;
	v2 =	vsub.f32 $0.0e+00, v2;
	(erf) = vpow2.f32 v6  }
0x95: {  	v6 =	vld [tilespmem:s18+$0x2A00];
	v1 =	vmul.f32 $1.442695020e+00, v1;
	v3 =	vsub.f32 $0.0e+00, v3;
	(erf) = vpow2.f32 v5  }
0x96: {  	v5 =	vld [tilespmem:s18+$0x3E00];
	v2 =	vmul.f32 $1.442695020e+00, v2;
	v4 =	vsub.f32 $0.0e+00, v4;
	(erf) = vpow2.f32 v0  }
0x97: {  	v0 =	vld [tilespmem:s18+$0x2A10];
	v3 =	vmul.f32 $1.442695020e+00, v3;
	v7 =	vsub.f32 $0.0e+00, v8;
	(erf) = vpow2.f32 v1  }
0x98: {  	v1 =	vld [tilespmem:s18+$0x3E10];
	v4 =	vmul.f32 $1.442695020e+00, v4;
	(erf) = vpow2.f32 v2  }
0x99: {  	v2 =	vld [tilespmem:s18+$0x2A20];
	v7 =	vmul.f32 $1.442695020e+00, v7;
	(erf) = vpow2.f32 v3  }
0x9a: {  	v3 =	vld [tilespmem:s18+$0x3E20];
	(erf) = vpow2.f32 v4  }
0x9b: {  	v4 =	vld [tilespmem:s18+$0x2A30];
	(erf) = vpow2.f32 v7  }
0x9c: {  	v7 =	vld [tilespmem:s18+$0x3E30]  }
0x9d: {  	v8 =	vld [tilespmem:s18+$0x2A40];
	v9 =	vpop (erf)  }
0x9e: {  	v15 =	vadd.f32 $1.000000000e+00, v9;
	v10 =	vld [tilespmem:s18+$0x3E40];
	v11 =	vpop (erf)  }
0x9f: {  	v16 =	vadd.f32 $1.000000000e+00, v11;
	v12 =	vld [tilespmem:s18+$0x2A50];
	v13 =	vpop (erf)  }
0xa0: {  	v17 =	vadd.f32 $1.000000000e+00, v13;
	v14 =	vld [tilespmem:s18+$0x3E50];
	(erf) = vrcp.f32 v15;
	v9 =	vpop (erf)  }
0xa1: {  	v18 =	vadd.f32 $1.000000000e+00, v9;
	v15 =	vld [tilespmem:s18+$0x2A60];
	(erf) = vrcp.f32 v16;
	v11 =	vpop (erf)  }
0xa2: {  	v19 =	vadd.f32 $1.000000000e+00, v11;
	v16 =	vld [tilespmem:s18+$0x3E60];
	(erf) = vrcp.f32 v17;
	v13 =	vpop (erf)  }
0xa3: {  	v5 =	vadd.f32 v5, v6;
	v6 =	vadd.f32 $1.000000000e+00, v13;
	v13 =	vld [tilespmem:s18+$0x2A70];
	(erf) = vrcp.f32 v18;
	v9 =	vpop (erf)  }
0xa4: {  	v0 =	vadd.f32 v1, v0;
	v1 =	vadd.f32 $1.000000000e+00, v9;
	v9 =	vld [tilespmem:s18+$0x3E70];
	(erf) = vrcp.f32 v19;
	v11 =	vpop (erf)  }
0xa5: {  	v2 =	vadd.f32 v3, v2;
	v17 =	vld [tilespmem:s18+$0x1600];
	[tilespmem:s18+$0x1600] =	vst v5;
	v3 =	vadd.f32 $1.000000000e+00, v11;
	(erf) = vrcp.f32 v6  }
0xa6: {  	v5 =	vld [tilespmem:s18+$0x1610];
	[tilespmem:s18+$0x1610] =	vst v0;
	v0 =	vadd.f32 v7, v4;
	(erf) = vrcp.f32 v1  }
0xa7: {  	v1 =	vld [tilespmem:s18+$0x1620];
	[tilespmem:s18+$0x1620] =	vst v2;
	v2 =	vadd.f32 v10, v8;
	(erf) = vrcp.f32 v3  }
0xa8: {  	v8 =	vadd.f32 v14, v12;
	v3 =	vld [tilespmem:s18+$0x1630];
	[tilespmem:s18+$0x1630] =	vst v0  }
0xa9: {  	v10 =	vadd.f32 v16, v15;
	v4 =	vld [tilespmem:s18+$0x1640];
	[tilespmem:s18+$0x1640] =	vst v2;
	v6 =	vpop (erf)  }
0xaa: {  	v6 =	vmul.f32 v6, v17;
	v7 =	vld [tilespmem:s18+$0x1650];
	[tilespmem:s18+$0x1650] =	vst v8;
	v0 =	vpop (erf)  }
0xab: {  	v11 =	vmul.f32 v0, v5;
	v5 =	vld [tilespmem:s18+$0x1660];
	[tilespmem:s18+$0x1660] =	vst v10;
	v2 =	vpop (erf)  }
0xac: {  	s31 =	sshra.s32 s0, $0x2;
	[tilespmem:s18+$0x200] =	vst v6;
	v12 =	vmul.f32 v2, v1;
	v6 =	vld [tilespmem:s18+$0x1670];
	v2 =	vpop (erf)  }
0xad: {  	v8 =	vld [tilespmem:s31+$0x200];
	[tilespmem:s18+$0x210] =	vst v11;
	v11 =	vmul.f32 v2, v3;
	v0 =	vpop (erf)  }
0xae: {  	v10 =	vld [tilespmem:s31+$0x210];
	[tilespmem:s18+$0x220] =	vst v12;
	v12 =	vmul.f32 v0, v4;
	v1 =	vpop (erf)  }
.Ltmp0:
0xaf: {  	v0 =	vld [tilespmem:s31+$0x220];
	[tilespmem:s18+$0x230] =	vst v11;
	v4 =	vmul.f32 v1, v7;
	v2 =	vpop (erf);
	(pc) =	sbr.rel @p1 .LBB2_3-.Ltmp0, $4  }
0xb0: {  	v1 =	vld [tilespmem:s31+$0x230];
	[tilespmem:s18+$0x240] =	vst v12;
	v5 =	vmul.f32 v2, v5;
	v3 =	vpop (erf)  }
0xb1: {  	v2 =	vld [tilespmem:s31+$0x240];
	[tilespmem:s18+$0x250] =	vst v4;
	v11 =	vmul.f32 v3, v6  }
0xb2: {  	v7 =	vadd.f32 v9, v13;
	v6 =	vsub.f32 $0.0e+00, v8;
	v3 =	vld [tilespmem:s31+$0x250];
	[tilespmem:s18+$0x260] =	vst v5  }
0xb3: {  	s0 =	sadd.s32 $0x200, s0;
	v5 =	vsub.f32 $0.0e+00, v10;
	v4 =	vld [tilespmem:s31+$0x260];
	[tilespmem:s18+$0x270] =	vst v11  }
0xb4: {  	v6 =	vmul.f32 $1.442695020e+00, v6  }
0xb5: {  	v5 =	vmul.f32 $1.442695020e+00, v5  }
0xb6: {  	v0 =	vsub.f32 $0.0e+00, v0;
	(erf) = vpow2.f32 v6  }
0xb7: {  	v1 =	vsub.f32 $0.0e+00, v1;
	(erf) = vpow2.f32 v5  }
0xb8: {  	v8 =	vld [tilespmem:s31+$0x270];
	[tilespmem:s18+$0x1670] =	vst v7;
	v0 =	vmul.f32 $1.442695020e+00, v0;
	v2 =	vsub.f32 $0.0e+00, v2  }
0xb9: {  	v7 =	vld [tilespmem:s31+$0x2A00];
	v1 =	vmul.f32 $1.442695020e+00, v1  }
0xba: {  	v9 =	vld [tilespmem:s31+$0x3E00];
	v2 =	vmul.f32 $1.442695020e+00, v2;
	(erf) = vpow2.f32 v0  }
0xbb: {  	v3 =	vsub.f32 $0.0e+00, v3;
	(erf) = vpow2.f32 v1  }
0xbc: {  	v4 =	vsub.f32 $0.0e+00, v4;
	(erf) = vpow2.f32 v2  }
0xbd: {  	v10 =	vld [tilespmem:s31+$0x2A10];
	v3 =	vmul.f32 $1.442695020e+00, v3;
	v8 =	vsub.f32 $0.0e+00, v8  }
0xbe: {  	v11 =	vld [tilespmem:s31+$0x3E10];
	v4 =	vmul.f32 $1.442695020e+00, v4  }
0xbf: {  	v12 =	vld [tilespmem:s31+$0x2A20];
	v7 =	vadd.f32 v9, v7;
	v8 =	vmul.f32 $1.442695020e+00, v8;
	(erf) = vpow2.f32 v3;
	v15 =	vpop (erf)  }
0xc0: {  	v14 =	vld [tilespmem:s31+$0x3E30];
	(erf) = vpow2.f32 v4;
	v17 =	vpop (erf)  }
0xc1: {  	v16 =	vld [tilespmem:s31+$0x1600];
	[tilespmem:s31+$0x1600] =	vst v7;
	(erf) = vpow2.f32 v8;
	v7 =	vadd.f32 $1.000000000e+00, v17  }
0xc2: {  	v6 =	vld [tilespmem:s31+$0x2A30];
	v15 =	vadd.f32 $1.000000000e+00, v15  }
0xc3: {  	v5 =	vld [tilespmem:s31+$0x2A40];
	v39 =	vpop (erf)  }
0xc4: {  	v0 =	vld [tilespmem:s31+$0x3E40];
	v10 =	vadd.f32 v11, v10;
	(erf) = vrcp.f32 v15;
	v11 =	vadd.f32 $1.000000000e+00, v39;
	v41 =	vpop (erf)  }
0xc5: {  	v1 =	vld [tilespmem:s31+$0x2A50];
	v42 =	vadd.f32 $1.000000000e+00, v41;
	(erf) = vrcp.f32 v7;
	v7 =	vpop (erf)  }
0xc6: {  	v2 =	vld [tilespmem:s31+$0x3E50];
	(erf) = vrcp.f32 v11;
	v7 =	vadd.f32 $1.000000000e+00, v7  }
0xc7: {  	v3 =	vld [tilespmem:s31+$0x2A60];
	(erf) = vrcp.f32 v42  }
0xc8: {  	v4 =	vld [tilespmem:s31+$0x3E60];
	v44 =	vpop (erf)  }
0xc9: {  	v13 =	vld [tilespmem:s31+$0x3E20];
	v11 =	vadd.f32 $1.000000000e+00, v44;
	v45 =	vpop (erf)  }
0xca: {  	v40 =	vld [tilespmem:s31+$0x1610];
	v6 =	vadd.f32 v14, v6;
	[tilespmem:s31+$0x1610] =	vst v10;
	v10 =	vadd.f32 $1.000000000e+00, v45;
	(erf) = vrcp.f32 v7;
	v7 =	vpop (erf)  }
0xcb: {  	v43 =	vld [tilespmem:s31+$0x1620];
	v0 =	vadd.f32 v0, v5;
	(erf) = vrcp.f32 v11;
	v5 =	vadd.f32 $1.000000000e+00, v7  }
0xcc: {  	v46 =	vld [tilespmem:s31+$0x1630];
	[tilespmem:s31+$0x1630] =	vst v6;
	v1 =	vadd.f32 v2, v1;
	(erf) = vrcp.f32 v10  }
0xcd: {  	v6 =	vld [tilespmem:s31+$0x1640];
	[tilespmem:s31+$0x1640] =	vst v0;
	v2 =	vadd.f32 v4, v3;
	v3 =	vpop (erf);
	(erf) = vrcp.f32 v5  }
0xce: {  	v0 =	vld [tilespmem:s31+$0x1650];
	[tilespmem:s31+$0x1650] =	vst v1;
	v4 =	vpop (erf)  }
0xcf: {  	v1 =	vmul.f32 v3, v16;
	v3 =	vld [tilespmem:s31+$0x1660];
	[tilespmem:s31+$0x1660] =	vst v2;
	v2 =	vmul.f32 v4, v40;
	v4 =	vpop (erf)  }
0xd0: {  	v5 =	vpop (erf)  }
0xd1: {  	v38 =	vld [tilespmem:s31+$0x3E70];
	v12 =	vadd.f32 v13, v12;
	[tilespmem:s31+$0x210] =	vst v2;
	v2 =	vmul.f32 v5, v46  }
0xd2: {  	[tilespmem:s31+$0x200] =	vst v1;
	v1 =	vmul.f32 v4, v43;
	v4 =	vld [tilespmem:s31+$0x1670]  }
0xd3: {  	[tilespmem:s31+$0x1620] =	vst v12;
	v8 =	vld [tilespmem:s31+$0x2A70];
	v5 =	vpop (erf)  }
0xd4: {  	[tilespmem:s31+$0x220] =	vst v1;
	v1 =	vmul.f32 v5, v6;
	v5 =	vpop (erf)  }
0xd5: {  	[tilespmem:s31+$0x230] =	vst v2;
	v0 =	vmul.f32 v5, v0;
	v2 =	vpop (erf)  }
0xd6: {  	[tilespmem:s31+$0x240] =	vst v1;
	v1 =	vmul.f32 v2, v3;
	v2 =	vpop (erf)  }
0xd7: {  	[tilespmem:s31+$0x250] =	vst v0;
	v0 =	vmul.f32 v2, v4  }
0xd8: {  	s0 =	sadd.s32 s16, s25;
	[tilespmem:s31+$0x260] =	vst v1;
	v1 =	vadd.f32 v38, v8  }
0xd9: {  	s0 =	sshll.u32 s0, $0x4;
	[tilespmem:s31+$0x270] =	vst v0  }
0xda: {  	s1 =	simm.s32 $0x1600;
	s0 =	sadd.s32 s10, s0;
	[tilespmem:s31+$0x1670] =	vst v1  }
0xdb: {  	[hbm4b:s0+s4] =	stream.linear.scatter [tilespmem:s1], [sflag:$0x5], $0x1400, $0x38;
	[tilespmem:$0x1DA80] =	vst v63  }
0xdc: {  	s18 =	simm.s32 $0x200  }
0xdd: {  	[spmem:s29] =	stream.indirect.scatter.add.f32 [tilespmem:s18], [sflag:$0x7], $0x80, s4, s30, $0xb8;
	[tilespmem:$0x1DA80] =	vst v63  }
0xde: {  	_ =	swait.ge [sflag:s28], $0x1400  }
0xdf: {  	s11 =	smov.u32 s29;
	s29 =	rddreg [dreg:$0xf]  }
0xe0: {  	s0 =	sadd.s32 s25, s29  }
0xe1: {  	[sflag:s28] =	ssyncset.done $0x0;
	s1 =	sshrl.u32 s0, $0x3  }
0xe2: {  	[sflag:s28] =	ssyncadd.s32 $0xFFFFEC00;
	s31 =	sadd.s32 s5, s1  }
0xe3: {  	[tilespmem:s4], [sflag:$0x3] =	stream.linear.gather [hbm4b:s31+s4], $0x28, $0x38;
	[tilespmem:$0x1DA80] =	vst v63  }
0xe4: {  	s29 =	simm.s32 $0x80;
	s18 =	sadd.s32 s6, s1  }
0xe5: {  	[tilespmem:s29], [sflag:$0x3] =	stream.linear.gather [hbm4b:s18+s4], $0x28, $0x38;
	[tilespmem:$0x1DA80] =	vst v63  }
0xe6: {  	_ =	swait.ge [sflag:s20], $0x1400  }
0xe7: {  	[sflag:s20] =	ssyncset.done $0x0  }
0xe8: {  	[sflag:s20] =	ssyncadd.s32 $0xFFFFEC00  }
0xe9: {  	_ =	swait.ge [sflag:s20], $0x1400  }
0xea: {  	[sflag:s20] =	ssyncset.done $0x0  }
0xeb: {  	[sflag:s20] =	ssyncadd.s32 $0xFFFFEC00  }
0xec: {  	_ =	swait.ge [sflag:s20], $0x1400  }
0xed: {  	[sflag:s20] =	ssyncset.done $0x0  }
0xee: {  	[sflag:s20] =	ssyncadd.s32 $0xFFFFEC00  }
0xef: {  	_ =	swait.ge [sflag:s20], $0x1400  }
0xf0: {  	[sflag:s20] =	ssyncset.done $0x0  }
0xf1: {  	[sflag:s20] =	ssyncadd.s32 $0xFFFFEC00  }
0xf2: {  	_ =	swait.ge [sflag:s21], $0x28  }
0xf3: {  	[sflag:s21] =	ssyncset.done $0x0  }
0xf4: {  	[sflag:s21] =	ssyncadd.s32 $0xFFFFFFD8  }
0xf5: {  	_ =	swait.ge [sflag:s21], $0x28  }
0xf6: {  	[sflag:s21] =	ssyncset.done $0x0  }
0xf7: {  	[sflag:s21] =	ssyncadd.s32 $0xFFFFFFD8  }
0xf8: {  	p1 =	seq.s32 s24, $0x7C;
	_ =	swait.ge [sflag:s22], $0x1400  }
0xf9: {  	s31 =	simm.s32 @!p1 $0x80;
	[sflag:s22] =	ssyncset.done $0x0  }
0xfa: {  	s18 =	simm.s32 @!p1 $0x28;
	s29 =	simm.s32 @!p1 $0x1600;
	[sflag:s22] =	ssyncadd.s32 $0xFFFFEC00  }
0xfb: {  	[tilespmem:s29], [sflag:$0x1] =	stream.indirect.gather @!p1 [hbm4b:s7+s18], $0x80, s31, s18, $0xb8;
	[tilespmem:$0x1DA80] =	vst v63  }
0xfc: {  	s1 =	simm.s32 @!p1 $0x2A00;
	s29 =	simm.s32 @!p1 $0x0  }
0xfd: {  	[tilespmem:s1], [sflag:$0x1] =	stream.indirect.gather @!p1 [hbm4b:s8+s18], $0x80, s29, s18, $0xb8;
	[tilespmem:$0x1DA80] =	vst v63  }
0xfe: {  	s0 =	sshll.u32 @!p1 s0, $0x4;
	s1 =	simm.s32 @!p1 $0x3E00  }
0xff: {  	[tilespmem:s1], [sflag:$0x1] =	stream.indirect.gather @!p1 [hbm4b:s9+s18], $0x80, s31, s18, $0xb8;
	[tilespmem:$0x1DA80] =	vst v63  }
0x100: {  	s0 =	sadd.s32 @!p1 s2, s0;
	s1 =	simm.s32 @!p1 $0x200;
	s18 =	simm.s32 $0x0  }
0x101: {  	[tilespmem:s1], [sflag:$0x1] =	stream.linear.gather @!p1 [hbm4b:s0+s29], $0x1400, $0x38;
	[tilespmem:$0x1DA80] =	vst v63  }
0x102: {  	v0 =	vld [tilespmem:s18+$0x5200]  }
0x103: {  	v1 =	vld [tilespmem:s18+$0x5210];
	_ =	sdelay $0x1  }
0x104: {  	v2 =	vld [tilespmem:s18+$0x5220]  }
0x105: {  	v3 =	vld [tilespmem:s18+$0x5230]  }
0x106: {  	v4 =	vld [tilespmem:s18+$0x5240];
	v0 =	vsub.f32 $0.0e+00, v0  }
0x107: {  	v5 =	vld [tilespmem:s18+$0x5250];
	v1 =	vsub.f32 $0.0e+00, v1  }
0x108: {  	v6 =	vld [tilespmem:s18+$0x5260];
	v0 =	vmul.f32 $1.442695020e+00, v0  }
0x109: {  	v7 =	vld [tilespmem:s18+$0x5270];
	v1 =	vmul.f32 $1.442695020e+00, v1  }
0x10a: {  	v8 =	vld [tilespmem:s18+$0x7A00];
	v2 =	vsub.f32 $0.0e+00, v2;
	(erf) = vpow2.f32 v0  }
0x10b: {  	v47 =	vld [tilespmem:s18+$0x8E00];
	v3 =	vsub.f32 $0.0e+00, v3;
	(erf) = vpow2.f32 v1  }
0x10c: {  	v4 =	vsub.f32 $0.0e+00, v4;
	v2 =	vmul.f32 $1.442695020e+00, v2  }
0x10d: {  	v5 =	vsub.f32 $0.0e+00, v5;
	v3 =	vmul.f32 $1.442695020e+00, v3  }
0x10e: {  	v48 =	vld [tilespmem:s18+$0x7A10];
	v7 =	vsub.f32 $0.0e+00, v7;
	v4 =	vmul.f32 $1.442695020e+00, v4;
	(erf) = vpow2.f32 v2  }
0x10f: {  	v49 =	vld [tilespmem:s18+$0x8E10];
	v6 =	vsub.f32 $0.0e+00, v6;
	v5 =	vmul.f32 $1.442695020e+00, v5;
	(erf) = vpow2.f32 v3  }
0x110: {  	(erf) = vpow2.f32 v4;
	v4 =	vmul.f32 $1.442695020e+00, v7;
	v7 =	vadd.f32 v47, v8  }
0x111: {  	v50 =	vld [tilespmem:s18+$0x7A20];
	v6 =	vmul.f32 $1.442695020e+00, v6  }
0x112: {  	v52 =	vld [tilespmem:s18+$0x8E30];
	(erf) = vpow2.f32 v5  }
0x113: {  	v0 =	vld [tilespmem:s18+$0x7A30];
	(erf) = vpow2.f32 v6;
	v5 =	vpop (erf)  }
0x114: {  	v6 =	vld [tilespmem:s18+$0x6600];
	[tilespmem:s18+$0x6600] =	vst v7;
	(erf) = vpow2.f32 v4;
	v4 =	vadd.f32 v49, v48;
	v7 =	vpop (erf)  }
0x115: {  	v53 =	vld [tilespmem:s18+$0x7A40];
	v5 =	vadd.f32 $1.000000000e+00, v5;
	v7 =	vadd.f32 $1.000000000e+00, v7  }
0x116: {  	v1 =	vld [tilespmem:s18+$0x8E40]  }
0x117: {  	v51 =	vld [tilespmem:s18+$0x8E20];
	(erf) = vrcp.f32 v5  }
0x118: {  	v0 =	vadd.f32 v52, v0;
	v5 =	vld [tilespmem:s18+$0x6610];
	[tilespmem:s18+$0x6610] =	vst v4;
	v4 =	vpop (erf);
	(erf) = vrcp.f32 v7  }
0x119: {  	v54 =	vld [tilespmem:s18+$0x7A50];
	v7 =	vpop (erf)  }
0x11a: {  	v2 =	vld [tilespmem:s18+$0x8E50];
	v4 =	vadd.f32 $1.000000000e+00, v4;
	v7 =	vadd.f32 $1.000000000e+00, v7  }
0x11b: {  	v55 =	vld [tilespmem:s18+$0x7A60];
	v1 =	vadd.f32 v1, v53;
	v59 =	vpop (erf)  }
0x11c: {  	v58 =	vld [tilespmem:s18+$0x6630];
	[tilespmem:s18+$0x6630] =	vst v0;
	(erf) = vrcp.f32 v4;
	v0 =	vpop (erf)  }
0x11d: {  	v3 =	vld [tilespmem:s18+$0x8E60];
	(erf) = vrcp.f32 v7;
	v0 =	vadd.f32 $1.000000000e+00, v0  }
0x11e: {  	v11 =	vadd.f32 $1.000000000e+00, v59;
	v7 =	vpop (erf)  }
0x11f: {  	v2 =	vadd.f32 v2, v54;
	v4 =	vld [tilespmem:s18+$0x6640];
	[tilespmem:s18+$0x6640] =	vst v1;
	v1 =	vpop (erf)  }
0x120: {  	v57 =	vld [tilespmem:s18+$0x6620];
	(erf) = vrcp.f32 v11;
	v61 =	vpop (erf)  }
0x121: {  	v60 =	vld [tilespmem:s18+$0x6650];
	v56 =	vadd.f32 v51, v50;
	[tilespmem:s18+$0x6650] =	vst v2;
	(erf) = vrcp.f32 v0;
	v2 =	vmul.f32 v61, v6;
	v0 =	vpop (erf)  }
0x122: {  	v3 =	vadd.f32 v3, v55;
	v0 =	vmul.f32 v0, v5  }
0x123: {  	[tilespmem:s18+$0x6620] =	vst v56;
	v7 =	vadd.f32 $1.000000000e+00, v7  }
0x124: {  	v1 =	vadd.f32 $1.000000000e+00, v1;
	v6 =	vld [tilespmem:s18+$0x6660];
	[tilespmem:s18+$0x6660] =	vst v3  }
0x125: {  	s31 =	simm.s32 $0x80;
	(erf) = vrcp.f32 v7;
	[tilespmem:s18+$0x5200] =	vst v2;
	v2 =	vpop (erf)  }
0x126: {  	v7 =	vld [tilespmem:s31+$0x5200];
	[tilespmem:s18+$0x5210] =	vst v0;
	(erf) = vrcp.f32 v1;
	v1 =	vmul.f32 v2, v57;
	v0 =	vpop (erf)  }
0x127: {  	v2 =	vmul.f32 v0, v58;
	_ =	sdelay $0x1  }
0x128: {  	v18 =	vld [tilespmem:s18+$0x7A70]  }
0x129: {  	v62 =	vld [tilespmem:s31+$0x5210];
	[tilespmem:s18+$0x5220] =	vst v1;
	v1 =	vpop (erf)  }
0x12a: {  	v0 =	vld [tilespmem:s31+$0x5220];
	[tilespmem:s18+$0x5230] =	vst v2;
	v3 =	vmul.f32 v1, v4;
	v2 =	vpop (erf)  }
0x12b: {  	v5 =	vld [tilespmem:s18+$0x6670];
	v4 =	vmul.f32 v2, v60  }
0x12c: {  	v8 =	vld [tilespmem:s18+$0x8E70];
	_ =	sdelay $0x1  }
0x12d: {  	v1 =	vld [tilespmem:s31+$0x5230];
	[tilespmem:s18+$0x5240] =	vst v3;
	v3 =	vpop (erf)  }
0x12e: {  	v2 =	vld [tilespmem:s31+$0x5240];
	[tilespmem:s18+$0x5250] =	vst v4;
	v6 =	vmul.f32 v3, v6;
	v4 =	vpop (erf)  }
0x12f: {  	v63 =	vmul.f32 v4, v5  }
0x130: {  	v3 =	vld [tilespmem:s31+$0x5250];
	[tilespmem:s18+$0x5260] =	vst v6;
	v6 =	vsub.f32 $0.0e+00, v7;
	v7 =	vadd.f32 v8, v18  }
0x131: {  	s0 =	simm.s32 $0x400;
	v5 =	vsub.f32 $0.0e+00, v62;
	v4 =	vld [tilespmem:s31+$0x5260];
	[tilespmem:s18+$0x5270] =	vst v63  }
.LBB2_5:
0x132: {  	p1 =	sne.s32 s0, $0x4E00;
	v6 =	vmul.f32 $1.442695020e+00, v6;
	v0 =	vsub.f32 $0.0e+00, v0;
	v8 =	vld [tilespmem:s31+$0x5270];
	[tilespmem:s18+$0x6670] =	vst v7;
	s18 =	smov.u32 s31  }
0x133: {  	v5 =	vmul.f32 $1.442695020e+00, v5;
	v1 =	vsub.f32 $0.0e+00, v1  }
0x134: {  	v0 =	vmul.f32 $1.442695020e+00, v0;
	v2 =	vsub.f32 $0.0e+00, v2;
	(erf) = vpow2.f32 v6  }
0x135: {  	v6 =	vld [tilespmem:s18+$0x7A00];
	v1 =	vmul.f32 $1.442695020e+00, v1;
	v3 =	vsub.f32 $0.0e+00, v3;
	(erf) = vpow2.f32 v5  }
0x136: {  	v5 =	vld [tilespmem:s18+$0x8E00];
	v2 =	vmul.f32 $1.442695020e+00, v2;
	v4 =	vsub.f32 $0.0e+00, v4;
	(erf) = vpow2.f32 v0  }
0x137: {  	v0 =	vld [tilespmem:s18+$0x7A10];
	v3 =	vmul.f32 $1.442695020e+00, v3;
	v7 =	vsub.f32 $0.0e+00, v8;
	(erf) = vpow2.f32 v1  }
0x138: {  	v1 =	vld [tilespmem:s18+$0x8E10];
	v4 =	vmul.f32 $1.442695020e+00, v4;
	(erf) = vpow2.f32 v2  }
0x139: {  	v2 =	vld [tilespmem:s18+$0x7A20];
	v7 =	vmul.f32 $1.442695020e+00, v7;
	(erf) = vpow2.f32 v3  }
0x13a: {  	v3 =	vld [tilespmem:s18+$0x8E20];
	(erf) = vpow2.f32 v4  }
0x13b: {  	v4 =	vld [tilespmem:s18+$0x7A30];
	(erf) = vpow2.f32 v7  }
0x13c: {  	v7 =	vld [tilespmem:s18+$0x8E30]  }
0x13d: {  	v8 =	vld [tilespmem:s18+$0x7A40];
	v9 =	vpop (erf)  }
0x13e: {  	v15 =	vadd.f32 $1.000000000e+00, v9;
	v10 =	vld [tilespmem:s18+$0x8E40];
	v11 =	vpop (erf)  }
0x13f: {  	v16 =	vadd.f32 $1.000000000e+00, v11;
	v12 =	vld [tilespmem:s18+$0x7A50];
	v13 =	vpop (erf)  }
0x140: {  	v17 =	vadd.f32 $1.000000000e+00, v13;
	v14 =	vld [tilespmem:s18+$0x8E50];
	(erf) = vrcp.f32 v15;
	v9 =	vpop (erf)  }
0x141: {  	v18 =	vadd.f32 $1.000000000e+00, v9;
	v15 =	vld [tilespmem:s18+$0x7A60];
	(erf) = vrcp.f32 v16;
	v11 =	vpop (erf)  }
0x142: {  	v19 =	vadd.f32 $1.000000000e+00, v11;
	v16 =	vld [tilespmem:s18+$0x8E60];
	(erf) = vrcp.f32 v17;
	v13 =	vpop (erf)  }
0x143: {  	v5 =	vadd.f32 v5, v6;
	v6 =	vadd.f32 $1.000000000e+00, v13;
	v13 =	vld [tilespmem:s18+$0x7A70];
	(erf) = vrcp.f32 v18;
	v9 =	vpop (erf)  }
0x144: {  	v0 =	vadd.f32 v1, v0;
	v1 =	vadd.f32 $1.000000000e+00, v9;
	v9 =	vld [tilespmem:s18+$0x8E70];
	(erf) = vrcp.f32 v19;
	v11 =	vpop (erf)  }
0x145: {  	v2 =	vadd.f32 v3, v2;
	v17 =	vld [tilespmem:s18+$0x6600];
	[tilespmem:s18+$0x6600] =	vst v5;
	v3 =	vadd.f32 $1.000000000e+00, v11;
	(erf) = vrcp.f32 v6  }
0x146: {  	v5 =	vld [tilespmem:s18+$0x6610];
	[tilespmem:s18+$0x6610] =	vst v0;
	v0 =	vadd.f32 v7, v4;
	(erf) = vrcp.f32 v1  }
0x147: {  	v1 =	vld [tilespmem:s18+$0x6620];
	[tilespmem:s18+$0x6620] =	vst v2;
	v2 =	vadd.f32 v10, v8;
	(erf) = vrcp.f32 v3  }
0x148: {  	v8 =	vadd.f32 v14, v12;
	v3 =	vld [tilespmem:s18+$0x6630];
	[tilespmem:s18+$0x6630] =	vst v0  }
0x149: {  	v10 =	vadd.f32 v16, v15;
	v4 =	vld [tilespmem:s18+$0x6640];
	[tilespmem:s18+$0x6640] =	vst v2;
	v6 =	vpop (erf)  }
0x14a: {  	v6 =	vmul.f32 v6, v17;
	v7 =	vld [tilespmem:s18+$0x6650];
	[tilespmem:s18+$0x6650] =	vst v8;
	v0 =	vpop (erf)  }
0x14b: {  	v11 =	vmul.f32 v0, v5;
	v5 =	vld [tilespmem:s18+$0x6660];
	[tilespmem:s18+$0x6660] =	vst v10;
	v2 =	vpop (erf)  }
0x14c: {  	s31 =	sshra.s32 s0, $0x2;
	[tilespmem:s18+$0x5200] =	vst v6;
	v12 =	vmul.f32 v2, v1;
	v6 =	vld [tilespmem:s18+$0x6670];
	v2 =	vpop (erf)  }
0x14d: {  	v8 =	vld [tilespmem:s31+$0x5200];
	[tilespmem:s18+$0x5210] =	vst v11;
	v11 =	vmul.f32 v2, v3;
	v0 =	vpop (erf)  }
0x14e: {  	v10 =	vld [tilespmem:s31+$0x5210];
	[tilespmem:s18+$0x5220] =	vst v12;
	v12 =	vmul.f32 v0, v4;
	v1 =	vpop (erf)  }
.Ltmp1:
0x14f: {  	v0 =	vld [tilespmem:s31+$0x5220];
	[tilespmem:s18+$0x5230] =	vst v11;
	v4 =	vmul.f32 v1, v7;
	v2 =	vpop (erf);
	(pc) =	sbr.rel @p1 .LBB2_5-.Ltmp1, $4  }
0x150: {  	v1 =	vld [tilespmem:s31+$0x5230];
	[tilespmem:s18+$0x5240] =	vst v12;
	v5 =	vmul.f32 v2, v5;
	v3 =	vpop (erf)  }
0x151: {  	v2 =	vld [tilespmem:s31+$0x5240];
	[tilespmem:s18+$0x5250] =	vst v4;
	v11 =	vmul.f32 v3, v6  }
0x152: {  	v7 =	vadd.f32 v9, v13;
	v6 =	vsub.f32 $0.0e+00, v8;
	v3 =	vld [tilespmem:s31+$0x5250];
	[tilespmem:s18+$0x5260] =	vst v5  }
0x153: {  	s0 =	sadd.s32 $0x200, s0;
	v5 =	vsub.f32 $0.0e+00, v10;
	v4 =	vld [tilespmem:s31+$0x5260];
	[tilespmem:s18+$0x5270] =	vst v11  }
0x154: {  	v8 =	vld [tilespmem:s31+$0x5270];
	[tilespmem:s18+$0x6670] =	vst v7;
	v6 =	vmul.f32 $1.442695020e+00, v6;
	v0 =	vsub.f32 $0.0e+00, v0  }
0x155: {  	v7 =	vld [tilespmem:s31+$0x7A00];
	v5 =	vmul.f32 $1.442695020e+00, v5;
	v1 =	vsub.f32 $0.0e+00, v1  }
0x156: {  	v9 =	vld [tilespmem:s31+$0x8E00];
	(erf) = vpow2.f32 v6;
	v0 =	vmul.f32 $1.442695020e+00, v0;
	v2 =	vsub.f32 $0.0e+00, v2  }
0x157: {  	v10 =	vld [tilespmem:s31+$0x7A10];
	v1 =	vmul.f32 $1.442695020e+00, v1;
	v3 =	vsub.f32 $0.0e+00, v3;
	(erf) = vpow2.f32 v5  }
0x158: {  	v11 =	vld [tilespmem:s31+$0x8E10];
	v2 =	vmul.f32 $1.442695020e+00, v2;
	v4 =	vsub.f32 $0.0e+00, v4;
	(erf) = vpow2.f32 v0  }
0x159: {  	v12 =	vld [tilespmem:s31+$0x7A20];
	v3 =	vmul.f32 $1.442695020e+00, v3;
	v8 =	vsub.f32 $0.0e+00, v8;
	(erf) = vpow2.f32 v1  }
0x15a: {  	v13 =	vld [tilespmem:s31+$0x8E20];
	v4 =	vmul.f32 $1.442695020e+00, v4;
	(erf) = vpow2.f32 v2  }
0x15b: {  	v22 =	vld [tilespmem:s31+$0x7A30];
	v8 =	vmul.f32 $1.442695020e+00, v8;
	(erf) = vpow2.f32 v3  }
0x15c: {  	v14 =	vld [tilespmem:s31+$0x8E30];
	(erf) = vpow2.f32 v4  }
0x15d: {  	v23 =	vld [tilespmem:s31+$0x7A40];
	(erf) = vpow2.f32 v8  }
0x15e: {  	v24 =	vld [tilespmem:s31+$0x8E40]  }
0x15f: {  	v25 =	vld [tilespmem:s31+$0x7A50];
	v15 =	vpop (erf)  }
0x160: {  	v26 =	vld [tilespmem:s31+$0x8E50];
	v15 =	vadd.f32 $1.000000000e+00, v15;
	v17 =	vpop (erf)  }
0x161: {  	v27 =	vld [tilespmem:s31+$0x7A60];
	v7 =	vadd.f32 v9, v7;
	v31 =	vadd.f32 $1.000000000e+00, v17;
	v32 =	vpop (erf)  }
0x162: {  	v28 =	vld [tilespmem:s31+$0x8E60];
	v10 =	vadd.f32 v11, v10;
	(erf) = vrcp.f32 v15;
	v11 =	vadd.f32 $1.000000000e+00, v32;
	v34 =	vpop (erf)  }
0x163: {  	v29 =	vld [tilespmem:s31+$0x7A70];
	v35 =	vadd.f32 $1.000000000e+00, v34;
	(erf) = vrcp.f32 v31;
	v36 =	vpop (erf)  }
0x164: {  	v16 =	vld [tilespmem:s31+$0x6600];
	[tilespmem:s31+$0x6600] =	vst v7;
	v7 =	vadd.f32 $1.000000000e+00, v36;
	(erf) = vrcp.f32 v11;
	v38 =	vpop (erf)  }
0x165: {  	v30 =	vld [tilespmem:s31+$0x8E70];
	v11 =	vadd.f32 $1.000000000e+00, v38;
	(erf) = vrcp.f32 v35;
	v39 =	vpop (erf)  }
0x166: {  	v33 =	vld [tilespmem:s31+$0x6610];
	v12 =	vadd.f32 v13, v12;
	[tilespmem:s31+$0x6610] =	vst v10;
	v10 =	vadd.f32 $1.000000000e+00, v39;
	(erf) = vrcp.f32 v7;
	v41 =	vpop (erf)  }
0x167: {  	v6 =	vadd.f32 v14, v22;
	v42 =	vadd.f32 $1.000000000e+00, v41;
	(erf) = vrcp.f32 v11  }
0x168: {  	v37 =	vld [tilespmem:s31+$0x6620];
	v0 =	vadd.f32 v24, v23;
	[tilespmem:s31+$0x6620] =	vst v12;
	(erf) = vrcp.f32 v10  }
0x169: {  	v40 =	vld [tilespmem:s31+$0x6630];
	v1 =	vadd.f32 v26, v25;
	[tilespmem:s31+$0x6630] =	vst v6;
	(erf) = vrcp.f32 v42  }
0x16a: {  	v43 =	vld [tilespmem:s31+$0x6640];
	v45 =	vadd.f32 v28, v27;
	[tilespmem:s31+$0x6640] =	vst v0  }
0x16b: {  	v44 =	vld [tilespmem:s31+$0x6650];
	v63 =	vadd.f32 v30, v29;
	[tilespmem:s31+$0x6650] =	vst v1;
	v46 =	vpop (erf)  }
0x16c: {  	v48 =	vld [tilespmem:s31+$0x6660];
	[tilespmem:s31+$0x6660] =	vst v45;
	v47 =	vmul.f32 v46, v16;
	v49 =	vpop (erf)  }
0x16d: {  	v53 =	vld [tilespmem:s31+$0x6670];
	[tilespmem:s31+$0x6670] =	vst v63;
	v50 =	vmul.f32 v49, v33;
	v51 =	vpop (erf)  }
0x16e: {  	[tilespmem:s31+$0x5200] =	vst v47;
	v52 =	vmul.f32 v51, v37;
	v54 =	vpop (erf)  }
0x16f: {  	[tilespmem:s31+$0x5210] =	vst v50;
	v55 =	vmul.f32 v54, v40;
	v56 =	vpop (erf)  }
0x170: {  	[tilespmem:s31+$0x5220] =	vst v52;
	v57 =	vmul.f32 v56, v43;
	v58 =	vpop (erf)  }
0x171: {  	[tilespmem:s31+$0x5230] =	vst v55;
	v0 =	vmul.f32 v58, v44;
	v59 =	vpop (erf)  }
0x172: {  	[tilespmem:s31+$0x5240] =	vst v57;
	v60 =	vmul.f32 v59, v48;
	v61 =	vpop (erf)  }
0x173: {  	[tilespmem:s31+$0x5250] =	vst v0;
	v62 =	vmul.f32 v61, v53  }
0x174: {  	[tilespmem:s31+$0x5260] =	vst v60  }
0x175: {  	s0 =	sadd.s32 s10, s17;
	[tilespmem:s31+$0x5270] =	vst v62  }
0x176: {  	[hbm4b:s0+s4] =	stream.linear.scatter [tilespmem:s15], [sflag:$0x6], $0x1400, $0x38;
	[tilespmem:$0x1DA80] =	vst v63  }
0x177: {  	s24 =	sadd.s32 $0x1, s24  }
0x178: {  	[spmem:s11] =	stream.indirect.scatter.add.f32 [tilespmem:s19], [sflag:$0x7], $0x80, s3, s30, $0xb8;
	[tilespmem:$0x1DA80] =	vst v63  }
0x179: {  	p1 =	sne.s32 s24, $0x7D;
	s31 =	sadd.s32 s25, s26;
	_ =	swait.ge [sflag:s28], $0x1400  }
.Ltmp2:
0x17a: {  	s0 =	sshrl.u32 s31, $0x3;
	[sflag:s28] =	ssyncset.done $0x0;
	(pc) =	sbr.rel @p1 .LBB2_2-.Ltmp2, $4  }
0x17b: {  	s1 =	sadd.s32 s5, s0;
	[sflag:s28] =	ssyncadd.s32 $0xFFFFEC00  }
0x17c: {  	[tilespmem:s3], [sflag:$0x4] =	stream.linear.gather [hbm4b:s1+s4], $0x28, $0x38;
	[tilespmem:$0x1DA80] =	vst v63  }
0x17d: {  	s29 =	smov.u32 s11;
	s0 =	sadd.s32 s6, s0  }
0x17e: {  	[tilespmem:s12], [sflag:$0x4] =	stream.linear.gather [hbm4b:s0+s4], $0x28, $0x38;
	[tilespmem:$0x1DA80] =	vst v63  }
0x17f: {  	_ =	swait.ge [sflag:s14], $0x28  }
0x180: {  	[sflag:s14] =	ssyncset.done $0x0  }
0x181: {  	[sflag:s14] =	ssyncadd.s32 $0xFFFFFFD8  }
0x182: {  	_ =	swait.ge [sflag:s14], $0x28  }
0x183: {  	[sflag:s14] =	ssyncset.done $0x0  }
0x184: {  	s0 =	simm.s32 $0x6;
	[sflag:s14] =	ssyncadd.s32 $0xFFFFFFD8  }
0x185: {  	_ =	swait.ge [sflag:s0], $0x1400  }
0x186: {  	[sflag:s0] =	ssyncset.done $0x0  }
0x187: {  	[sflag:s0] =	ssyncadd.s32 $0xFFFFEC00  }
0x188: {  	[bflag:$0x0] =	sbarrier.arrive $0xFFFF  }
0x189: {  	s1 =	rddreg [dreg:$0x10]  }
0x18a: {  	s0 =	simm.s32 @p0 $0x1FC7;
	s11 =	rddreg [dreg:$0x13]  }
0x18b: {  	[hbm:s1], [sflag:s0] =	dma.local @p0 [spmem:s11], $0x2800  }
0x18c: {  	s0 =	simm.s32 @p0 $0x7  }
0x18d: {  	_ =	swait.ge @p0 [sflag:s0], $0x2800  }
0x18e: {  	s1 =	rddreg [dreg:$0x14]  }
0x18f: {  	[sflag:s0] =	ssyncset.done @p0 $0x0;
	s11 =	rddreg [dreg:$0x15]  }
0x190: {  	[sflag:s0] =	ssyncadd.s32 @p0 $0xFFFFD800;
	s0 =	rddreg [dreg:$0xe]  }
0x191: {  	[hbm:s0], [sflag:s1] =	dma.local @!p0 [spmem:s11], $0x2700  }
0x192: {  	s0 =	simm.s32 @!p0 $0x7  }
0x193: {  	_ =	swait.ge @!p0 [sflag:s0], $0x2700  }
0x194: {  	s25 =	rddreg [dreg:$0x12]  }
0x195: {  	s31 =	rddreg [dreg:$0x11];
	s11 =	sadd.s32 $0x1, s25  }
0x196: {  	p1 =	sne.s32 s11, s31  }
.Ltmp3:
0x197: {  	_ = 	snop;
	(pc) =	sbr.rel @p1 .LBB2_1-.Ltmp3, $3  }
0x198: {  	_ =	sdelay $0x1  }
0x199: {  	[sflag:s0] =	ssyncset.done @!p0 $0x0  }
0x19a: {  	[sflag:s0] =	ssyncadd.s32 @!p0 $0xFFFFD900  }
0x19b: {  	_ =	sfence.sel $0x180000  }
0x19c: {  	[bflag:$0x0] =	sbarrier.arrive $0xFFFF  }
0x19d: {  	_ =	strace $0x90000047  }
0x19e: {  	s0 =	stileid.u32;
	[bflag:$0x2] =	sbarrier.arrive $0xFFFF  }
0x19f: {  	p0 =	sne.s32 s0, $0x0;
	s0 =	rddreg [dreg:$0x4]  }
0x1a0: {  	s0 =	sadd.s32 @!p0 $0x100000, s0  }
0x1a1: {  	[sflag:s0] =	ssyncadd.tile.s32 @!p0 $0x1;
	_ =	shalt  }
.Lfunc_end2:
_tile_overlayer_lowered:
.L_overlay_start_2:
0x1a2: {  	(tag) =	ssettag $0x2  }
0x1a3: {  	s0 =	rddreg [dreg:$0x0];
	s2 =	stileid.u32  }
0x1a4: {  	s1 =	rddreg [dreg:$0x1];
	p0 =	sne.s32 s2, $0x0  }
0x1a5: {  	s3 =	rddreg [dreg:$0x2];
	[bflag:$0x3] =	sbarrier.arrive $0xFFFF;
	s2 =	simm.s32 @!p0 $0x1C07  }
0x1a6: {  	[timem:s3], [sflag:s2] =	dma.local @!p0 [hbm:s0], s1  }
0x1a7: {  	s0 =	simm.s32 @!p0 $0x7  }
0x1a8: {  	_ =	swait.ge @!p0 [sflag:s0], s1  }
0x1a9: {  	s1 =	ssub.s32 @!p0 $0x0, s1;
	[sflag:s0] =	ssyncset.done @!p0 $0x0  }
0x1aa: {  	[sflag:s0] =	ssyncadd.s32 @!p0 s1  }
0x1ab: {  	[bflag:$0x3] =	sbarrier.arrive $0xFFFF  }
0x1ac: {  	_ =	shalt  }

</sc_bundles>
